<compile_context>
chip_gen: v7x
topology: tpu7x:2x2x1
jax: 0.10.2.dev20260603
libtpu: 0.0.44.dev20260713+nightly
codegen_flags: <defaults>
</compile_context>

<pallas_src>
import functools

import jax
import jax.numpy as jnp
from jax.experimental import pallas as pl
from jax.experimental.pallas import tpu as pltpu
from jax.experimental.pallas import tpu_sc as plsc

B = 2
C = 96
N = 3136
NT = B * N
K = 9
TN = 448
TM = 392
NUM_IDX = K * NT
NUM_IDX_PAD = 57344
SC_WINDOW = 128

_F32 = jnp.float32


def _bdot(a, b):
    return jax.lax.dot_general(a.astype(jnp.bfloat16), b.astype(jnp.bfloat16),
                               (((1,), (0,)), ((), ())),
                               preferred_element_type=_F32)


def _b3dot(a, b):
    ah = a.astype(jnp.bfloat16)
    al = (a - ah.astype(_F32)).astype(jnp.bfloat16)
    bh = b.astype(jnp.bfloat16)
    bl = (b - bh.astype(_F32)).astype(jnp.bfloat16)

    def d(u, v):
        return jax.lax.dot_general(u, v, (((1,), (0,)), ((), ())),
                                   preferred_element_type=_F32)

    return d(ah, bl) + d(al, bh) + d(ah, bh)


def _gelu(x):
    return 0.5 * x * (1.0 + jax.lax.erf(x * 0.7071067811865476))


def _inorm2d(x, cc, eps=1e-5):
    x3 = x.reshape(B, N, cc)
    m = jnp.mean(x3, axis=1, keepdims=True)
    v = jnp.mean((x3 - m) ** 2, axis=1, keepdims=True)
    return ((x3 - m) / jnp.sqrt(v + eps)).reshape(NT, cc)


def _bnorm2d(x, g, b, eps=1e-5):
    m = jnp.mean(x, axis=0, keepdims=True)
    v = jnp.mean((x - m) ** 2, axis=0, keepdims=True)
    return (x - m) / jnp.sqrt(v + eps) * g + b



def _prep_body(x_ref, w_ref, b_ref, g_ref, be_ref,
               y_ref, ypad_ref, xn_ref, xnt_ref, sqt_ref, sql_ref):
    x = x_ref[...]
    y = _bdot(x, w_ref[...]) + b_ref[...]
    y = _bnorm2d(y, g_ref[...], be_ref[...])
    y_ref[...] = y
    ypad_ref[...] = jnp.concatenate(
        [y, jnp.zeros((NT, 128 - C), _F32)], axis=1)
    nrm = jnp.sqrt(jnp.sum(y * y, axis=1, keepdims=True))
    xn = y / jnp.maximum(nrm, 1e-12)
    xn3 = xn.reshape(B, N, C)
    xn_ref[...] = xn3
    xnt = jnp.swapaxes(xn3, 1, 2)
    xnt_ref[...] = xnt
    sqt = jnp.sum(xn3 * xn3, axis=2, keepdims=True)
    sqt_ref[...] = sqt
    sql_ref[...] = jnp.swapaxes(sqt, 1, 2)


def _prep(x2d, w_t, bb, g, be):
    out_shape = [
        jax.ShapeDtypeStruct((NT, C), _F32),
        jax.ShapeDtypeStruct((NT, 128), _F32),
        jax.ShapeDtypeStruct((B, N, C), _F32),
        jax.ShapeDtypeStruct((B, C, N), _F32),
        jax.ShapeDtypeStruct((B, N, 1), _F32),
        jax.ShapeDtypeStruct((B, 1, N), _F32),
    ]
    return pl.pallas_call(_prep_body, out_shape=out_shape)(
        x2d, w_t, bb.reshape(1, C), g.reshape(1, C), be.reshape(1, C))



def _topk_body(xn_ref, xnt_ref, sqt_ref, sql_ref, rel_ref, idx_ref):
    b = pl.program_id(1)
    rows = xn_ref[0]
    xnt = xnt_ref[0]
    xx = _bdot(rows, xnt)
    inner = -2.0 * xx
    dist = ((sqt_ref[0] + inner) + sql_ref[0]) + rel_ref[0]
    col = jax.lax.broadcasted_iota(jnp.int32, (TN, N), 1)
    vals = dist
    for j in range(K):
        m = jnp.min(vals, axis=1, keepdims=True)
        sel = jnp.where(vals == m, col, N)
        idx = jnp.min(sel, axis=1, keepdims=True)
        idx_ref[0, :, pl.ds(j, 1)] = idx + b * N
        vals = jnp.where(col == idx, jnp.inf, vals)


def _topk(xn, xnt, sqt, sql, rel_pos):
    ntiles = N // TN
    grid = (ntiles, B)
    return pl.pallas_call(
        _topk_body,
        grid=grid,
        in_specs=[
            pl.BlockSpec((1, TN, C), lambda t, b: (b, t, 0)),
            pl.BlockSpec((1, C, N), lambda t, b: (b, 0, 0)),
            pl.BlockSpec((1, TN, 1), lambda t, b: (b, t, 0)),
            pl.BlockSpec((1, 1, N), lambda t, b: (b, 0, 0)),
            pl.BlockSpec((1, TN, N), lambda t, b: (0, t, 0)),
        ],
        out_specs=pl.BlockSpec((1, TN, 16), lambda t, b: (b, t, 0)),
        out_shape=jax.ShapeDtypeStruct((B, N, 16), jnp.int32),
    )(xn, xnt, sqt, sql, rel_pos)



def _sc_gather(yflat, idx):
    mesh = plsc.VectorSubcoreMesh(core_axis_name="c", subcore_axis_name="s")

    @functools.partial(
        pl.kernel,
        out_type=jax.ShapeDtypeStruct((NUM_IDX_PAD, 128), _F32),
        mesh=mesh)
    def k(x_hbm, i_hbm, o_hbm):
        def body(i_vmem, o_vmem):
            pltpu.sync_copy(x_hbm.at[i_vmem.at[0]], o_vmem)

        pltpu.emit_pipeline(
            body,
            grid=(NUM_IDX_PAD // SC_WINDOW,),
            in_specs=[pl.BlockSpec((1, SC_WINDOW), lambda i: (0, i))],
            out_specs=[pl.BlockSpec((SC_WINDOW, 128), lambda i: (i, 0))],
            core_axis_name=("c", "s"),
            dimension_semantics=(pltpu.PARALLEL,),
        )(i_hbm, o_hbm)

    return k(yflat, idx)



def _mr_a_body(y_ref, bdi_ref, b_ref, *refs):
    g_refs = refs[:K]
    y2_ref = refs[K]
    y0 = y_ref[0]
    mx = g_refs[0][:, :C]
    for k in range(1, K):
        mx = jnp.maximum(mx, g_refs[k][:, :C])
    xj = mx - y0
    xc = jnp.stack([y0, xj], axis=-1).reshape(TM, 2 * C)
    y2 = _bdot(xc, bdi_ref[...]) + b_ref[...]
    y2_ref[0] = y2


def _mr_a(y3, bdi, bvec, gathered):
    tiles = N // TM
    grid = (B, tiles)
    gather_specs = [
        pl.BlockSpec((TM, 128),
                     functools.partial(lambda k, b, t: (k * (NT // TM) + b * tiles + t, 0), k))
        for k in range(K)
    ]
    return pl.pallas_call(
        _mr_a_body,
        grid=grid,
        in_specs=[
            pl.BlockSpec((1, TM, C), lambda b, t: (b, t, 0)),
            pl.BlockSpec((2 * C, 2 * C), lambda b, t: (0, 0)),
            pl.BlockSpec((1, 2 * C), lambda b, t: (0, 0)),
        ] + gather_specs,
        out_specs=pl.BlockSpec((1, TM, 2 * C), lambda b, t: (b, t, 0)),
        out_shape=jax.ShapeDtypeStruct((B, N, 2 * C), _F32),
    )(y3, bdi, bvec, *([gathered] * K))



def _mr_b_body(y2_ref, w2_ref, b2_ref, g2_ref, be2_ref, sc_ref, o_ref):
    ycm = jnp.swapaxes(y2_ref[...], 1, 2)
    m = jnp.mean(ycm, axis=2, keepdims=True)
    c = ycm - m
    v = jnp.mean(c * c, axis=2, keepdims=True)
    norm = c / jnp.sqrt(v + 1e-5)
    h = _gelu(jnp.swapaxes(norm, 1, 2).reshape(NT, 2 * C))
    y3 = _bdot(h, w2_ref[...]) + b2_ref[...]
    y3 = _bnorm2d(y3, g2_ref[...], be2_ref[...])
    o_ref[...] = y3 + sc_ref[...]


def _mr_b(y2, w2t, b2, g2, be2, sc):
    return pl.pallas_call(
        _mr_b_body,
        out_shape=jax.ShapeDtypeStruct((NT, C), _F32),
    )(y2, w2t, b2.reshape(1, C), g2.reshape(1, C), be2.reshape(1, C), sc)



def _ffn_body(x_ref, w1_ref, b1_ref, w2_ref, b2_ref, x0_ref, o_ref, *, mode):
    x = x_ref[...]
    h = _bdot(x, w1_ref[...]) + b1_ref[...]
    h = _gelu(_inorm2d(h, 4 * C))
    y = _bdot(h, w2_ref[...]) + b2_ref[...]
    y = _inorm2d(y, C)
    y = y + x
    y = _inorm2d(y, C)
    if mode == "relu":
        o_ref[...] = jnp.maximum(y, 0.0)
    else:
        o_ref[...] = x0_ref[...] + y


def _ffn(x2d, w1t, b1, w2t, b2, x0, mode):
    body = functools.partial(_ffn_body, mode=mode)
    return pl.pallas_call(
        body,
        out_shape=jax.ShapeDtypeStruct((NT, C), _F32),
    )(x2d, w1t, b1.reshape(1, 4 * C), w2t, b2.reshape(1, C), x0)



def _grapher(x2d, fc1_W, fc1_b, fc1_g, fc1_be, mr_W, mr_b,
             fc2_W, fc2_b, fc2_g, fc2_be, rel_pos):
    y2d, ypad, xn, xnt, sqt, sql = _prep(x2d, fc1_W.T, fc1_b, fc1_g, fc1_be)
    idx16 = _topk(xn, xnt, sqt, sql, rel_pos)

    idx9 = idx16[:, :, :K]
    idx_flat = jnp.transpose(idx9, (2, 0, 1)).reshape(1, NUM_IDX)
    idx_flat = jnp.concatenate(
        [idx_flat, jnp.zeros((1, NUM_IDX_PAD - NUM_IDX), jnp.int32)], axis=1)
    gathered = _sc_gather(ypad, idx_flat)

    wg = mr_W.reshape(4, 2 * C // 4, 2 * C // 4)
    bdi = jnp.zeros((2 * C, 2 * C), _F32)
    for g in range(4):
        bdi = bdi.at[48 * g:48 * (g + 1), 48 * g:48 * (g + 1)].set(wg[g].T)

    y3 = y2d.reshape(B, N, C)
    y2 = _mr_a(y3, bdi, mr_b.reshape(1, 2 * C), gathered)
    return _mr_b(y2, fc2_W.T, fc2_b, fc2_g, fc2_be, x2d)


def kernel(x, g1_fc1_W, g1_fc1_b, g1_fc1_g, g1_fc1_be, g1_mr_W, g1_mr_b,
           g1_fc2_W, g1_fc2_b, g1_fc2_g, g1_fc2_be, g1_rel_pos,
           g2_fc1_W, g2_fc1_b, g2_fc1_g, g2_fc1_be, g2_mr_W, g2_mr_b,
           g2_fc2_W, g2_fc2_b, g2_fc2_g, g2_fc2_be, g2_rel_pos,
           f1_fc1_W, f1_fc1_b, f1_fc2_W, f1_fc2_b,
           f2_fc1_W, f2_fc1_b, f2_fc2_W, f2_fc2_b):
    H = 56
    xt = x.reshape(B, C, N).transpose(0, 2, 1).reshape(NT, C)

    z1 = _grapher(xt, g1_fc1_W, g1_fc1_b, g1_fc1_g, g1_fc1_be,
                  g1_mr_W, g1_mr_b, g1_fc2_W, g1_fc2_b, g1_fc2_g, g1_fc2_be,
                  g1_rel_pos)
    z2 = _ffn(z1, f1_fc1_W.T, f1_fc1_b, f1_fc2_W.T, f1_fc2_b, z1, "relu")
    z3 = _grapher(z2, g2_fc1_W, g2_fc1_b, g2_fc1_g, g2_fc1_be,
                  g2_mr_W, g2_mr_b, g2_fc2_W, g2_fc2_b, g2_fc2_g, g2_fc2_be,
                  g2_rel_pos)
    z4 = _ffn(z3, f2_fc1_W.T, f2_fc1_b, f2_fc2_W.T, f2_fc2_b, xt, "addx")

    return z4.reshape(B, N, C).transpose(0, 2, 1).reshape(B, C, H, H)

# --- scband reference (transcript-rebuilt; emitter-appended) ---
"""Pipeline reference for scband-vi-gblock-67242007986279 (READ-ONLY COPY).

The authoritative reference and input builder live on the scoring server;
editing this copy changes nothing except your own understanding.
"""

import jax, jax.numpy as jnp
import numpy as np

C = 96
N = 3136
H = 56
Wd = 56
B = 2
K = 9


def instance_norm(x, eps=1e-5):
    m = jnp.mean(x, axis=(2, 3), keepdims=True)
    v = jnp.var(x, axis=(2, 3), keepdims=True)
    return (x - m) / jnp.sqrt(v + eps)


def batch_norm(x, g, b, eps=1e-5):
    m = jnp.mean(x, axis=(0, 2, 3), keepdims=True)
    v = jnp.var(x, axis=(0, 2, 3), keepdims=True)
    return (x - m) / jnp.sqrt(v + eps) * g.reshape(1, -1, 1, 1) + b.reshape(1, -1, 1, 1)


def conv1x1(x, W, b):
    return jnp.einsum('bchw,oc->bohw', x, W) + b.reshape(1, -1, 1, 1)


def grouped_conv1x1(x, W, b, groups=4):
    Bn, Cin, Hh, Ww = x.shape
    Cout = W.shape[0]
    xg = x.reshape(Bn, groups, Cin // groups, Hh, Ww)
    Wg = W.reshape(groups, Cout // groups, Cin // groups)
    y = jnp.einsum('bgihw,goi->bgohw', xg, Wg).reshape(Bn, Cout, Hh, Ww)
    return y + b.reshape(1, -1, 1, 1)


def gelu(x):
    return jax.nn.gelu(x, approximate=False)


def knn_graph(x, k, rel_pos):
    # x: [B, C, N, 1]; F.normalize along channel dim, pairwise dist, top-k (no grad)
    nrm = jnp.sqrt(jnp.sum(x * x, axis=1, keepdims=True))
    xn = x / jnp.maximum(nrm, 1e-12)
    xt = jnp.swapaxes(xn[..., 0], 1, 2)  # [B, N, C]
    xt = jax.lax.stop_gradient(xt)
    inner = -2.0 * jnp.einsum('bnc,bmc->bnm', xt, xt)
    sq = jnp.sum(xt * xt, axis=-1, keepdims=True)
    dist = sq + inner + jnp.swapaxes(sq, 1, 2)
    dist = dist + rel_pos
    _, nn_idx = jax.lax.top_k(-dist, k)  # [B, N, k]
    Bn, Nn, _ = nn_idx.shape
    center = jnp.broadcast_to(jnp.arange(Nn)[None, :, None], (Bn, Nn, k))
    return nn_idx, center


def batched_index_select(x, idx):
    # x: [B, C, N, 1], idx: [B, N, k] -> [B, C, N, k]
    Bn, Cn, Nn, _ = x.shape
    k = idx.shape[-1]
    xf = x[..., 0]
    idxe = jnp.broadcast_to(idx.reshape(Bn, 1, Nn * k), (Bn, Cn, Nn * k))
    return jnp.take_along_axis(xf, idxe, axis=2).reshape(Bn, Cn, Nn, k)


def mr_conv(x, nn_idx, center, W, b):
    x_i = batched_index_select(x, center)
    x_j = batched_index_select(x, nn_idx)
    xj = jnp.max(x_j - x_i, axis=-1, keepdims=True)
    Bn, Cn, Nn, _ = x.shape
    xc = jnp.concatenate([x[:, :, None], xj[:, :, None]], axis=2).reshape(Bn, 2 * Cn, Nn, 1)
    y = grouped_conv1x1(xc, W, b, 4)
    y = instance_norm(y)
    return gelu(y)


def grapher(x, p, pre):
    sc = x
    x = conv1x1(x, p[pre + '_fc1_W'], p[pre + '_fc1_b'])
    x = batch_norm(x, p[pre + '_fc1_g'], p[pre + '_fc1_be'])
    Bn, Cn, Hh, Ww = x.shape
    xr = x.reshape(Bn, Cn, Hh * Ww, 1)
    nn_idx, center = knn_graph(xr, K, p[pre + '_rel_pos'])
    y = mr_conv(xr, nn_idx, center, p[pre + '_mr_W'], p[pre + '_mr_b'])
    y = y.reshape(Bn, -1, Hh, Ww)
    y = conv1x1(y, p[pre + '_fc2_W'], p[pre + '_fc2_b'])
    y = batch_norm(y, p[pre + '_fc2_g'], p[pre + '_fc2_be'])
    return y + sc


def ffn(x, p, pre):
    sc = x
    x = conv1x1(x, p[pre + '_fc1_W'], p[pre + '_fc1_b'])
    x = instance_norm(x)
    x = gelu(x)
    x = conv1x1(x, p[pre + '_fc2_W'], p[pre + '_fc2_b'])
    x = instance_norm(x)
    return x + sc


def vig_forward(x, p):
    y = grapher(x, p, 'g1')
    y = ffn(y, p, 'f1')
    y = instance_norm(y)
    y = jax.nn.relu(y)
    y = grapher(y, p, 'g2')
    y = ffn(y, p, 'f2')
    y = instance_norm(y)
    return x + y


def setup_inputs(seed=0):
    key = jax.random.key(seed)
    ks = jax.random.split(key, 32)
    d = {}
    d['x'] = jax.random.normal(ks[0], (B, C, H, Wd), dtype=jnp.float32)
    i = 1
    for g in ('g1', 'g2'):
        d[g + '_fc1_W'] = jax.random.normal(ks[i], (C, C), dtype=jnp.float32) * 0.05; i += 1
        d[g + '_fc1_b'] = jnp.zeros((C,), jnp.float32)
        d[g + '_fc1_g'] = jnp.ones((C,), jnp.float32)
        d[g + '_fc1_be'] = jnp.zeros((C,), jnp.float32)
        d[g + '_mr_W'] = jax.random.normal(ks[i], (2 * C, (2 * C) // 4), dtype=jnp.float32) * 0.05; i += 1
        d[g + '_mr_b'] = jnp.zeros((2 * C,), jnp.float32)
        d[g + '_fc2_W'] = jax.random.normal(ks[i], (C, 2 * C), dtype=jnp.float32) * 0.05; i += 1
        d[g + '_fc2_b'] = jnp.zeros((C,), jnp.float32)
        d[g + '_fc2_g'] = jnp.ones((C,), jnp.float32)
        d[g + '_fc2_be'] = jnp.zeros((C,), jnp.float32)
        d[g + '_rel_pos'] = jax.random.normal(ks[i], (1, N, N), dtype=jnp.float32) * 0.01; i += 1
    for f in ('f1', 'f2'):
        d[f + '_fc1_W'] = jax.random.normal(ks[i], (4 * C, C), dtype=jnp.float32) * 0.05; i += 1
        d[f + '_fc1_b'] = jnp.zeros((4 * C,), jnp.float32)
        d[f + '_fc2_W'] = jax.random.normal(ks[i], (C, 4 * C), dtype=jnp.float32) * 0.05; i += 1
        d[f + '_fc2_b'] = jnp.zeros((C,), jnp.float32)
    return d


def reference(x,
              g1_fc1_W, g1_fc1_b, g1_fc1_g, g1_fc1_be,
              g1_mr_W, g1_mr_b,
              g1_fc2_W, g1_fc2_b, g1_fc2_g, g1_fc2_be,
              g1_rel_pos,
              g2_fc1_W, g2_fc1_b, g2_fc1_g, g2_fc1_be,
              g2_mr_W, g2_mr_b,
              g2_fc2_W, g2_fc2_b, g2_fc2_g, g2_fc2_be,
              g2_rel_pos,
              f1_fc1_W, f1_fc1_b, f1_fc2_W, f1_fc2_b,
              f2_fc1_W, f2_fc1_b, f2_fc2_W, f2_fc2_b):
    p = {k: v for k, v in locals().items() if k != 'x'}
    return vig_forward(x, p)

if __name__ == "__main__":
    import jax
    _d = setup_inputs()
    print(jax.jit(kernel)(*tuple(_d.values())))

</pallas_src>

<mosaic_0001>
#map = affine_map<(d0, d1) -> (0, 0)>
module attributes {stable_mosaic.version = 14 : i64} {
  func.func @k(%arg0: i32, %arg1: i32, %arg2: memref<6272x128xf32, #tpu.memory_space<hbm>>, %arg3: memref<1x57344xi32, #tpu.memory_space<hbm>>, %arg4: memref<57344x128xf32, #tpu.memory_space<hbm>>) attributes {dimension_semantics = [#tpu.dimension_semantics<core_parallel>, #tpu.dimension_semantics<subcore_parallel>], iteration_bounds = array<i64: 2, 16>, scalar_prefetch = 0 : i64, scratch_operands = 0 : i64, tpu.core_type = #tpu.core_type<sc_vector_subcore>, window_params = [{transform_indices = #map}, {transform_indices = #map}, {transform_indices = #map}]} {
    %mul3A = arith.constant 1 : i32
    %mul3A_0 = arith.muli %arg1, %mul3A : i32
    %add3A = arith.constant 0 : i32
    %add3A_1 = arith.addi %add3A, %mul3A_0 : i32
    %mul3A_2 = arith.constant 16 : i32
    %mul3A_3 = arith.muli %arg0, %mul3A_2 : i32
    %add3A_4 = arith.addi %add3A_1, %mul3A_3 : i32
    %mul3A_5 = arith.constant 14 : i32
    %mul3A_6 = arith.muli %add3A_4, %mul3A_5 : i32
    "tpu.region"() ({
      %run_scoped3A = memref.alloca() : memref<2x1x128xi32, #tpu.memory_space<vmem>>
      %run_scoped3A_7 = tpu.sem_alloc : memref<2x!tpu.dma_semaphore, #tpu.memory_space<semaphore_mem>>
      %run_scoped3A_8 = memref.alloca() : memref<2x128x128xf32, #tpu.memory_space<vmem>>
      %run_scoped3A_9 = tpu.sem_alloc : memref<2x!tpu.dma_semaphore, #tpu.memory_space<semaphore_mem>>
      %add3A_10 = arith.constant 0 : i32
      %add3A_11 = arith.addi %add3A_10, %mul3A_6 : i32
      %select_n3A = arith.constant true
      %select_n3A_12 = arith.constant 0 : i32
      %select_n3A_13 = arith.constant -1 : i32
      %select_n3A_14 = arith.select %select_n3A, %select_n3A_13, %select_n3A_12 : i32
      %eq3A = arith.constant -1 : i32
      %eq3A_15 = arith.cmpi eq, %select_n3A_14, %eq3A : i32
      %select_n3A_16 = arith.constant 13 : i32
      %select_n3A_17 = arith.select %eq3A_15, %select_n3A_16, %select_n3A_14 : i32
      %add3A_18 = arith.addi %select_n3A_17, %mul3A_6 : i32
      %select_n3A_19 = arith.constant true
      %select_n3A_20 = arith.constant 0 : i32
      %select_n3A_21 = arith.constant 1 : i32
      %select_n3A_22 = arith.select %select_n3A_19, %select_n3A_21, %select_n3A_20 : i32
      %eq3A_23 = arith.constant 14 : i32
      %eq3A_24 = arith.cmpi eq, %select_n3A_22, %eq3A_23 : i32
      %select_n3A_25 = arith.constant 0 : i32
      %select_n3A_26 = arith.select %eq3A_24, %select_n3A_25, %select_n3A_22 : i32
      %add3A_27 = arith.addi %select_n3A_26, %mul3A_6 : i32
      %add3A_28 = arith.constant 1 : i32
      %add3A_29 = arith.addi %select_n3A_26, %add3A_28 : i32
      %select_n3A_30 = arith.constant true
      %select_n3A_31 = arith.select %select_n3A_30, %add3A_29, %select_n3A_26 : i32
      %eq3A_32 = arith.constant 14 : i32
      %eq3A_33 = arith.cmpi eq, %select_n3A_31, %eq3A_32 : i32
      %select_n3A_34 = arith.constant 0 : i32
      %select_n3A_35 = arith.select %eq3A_33, %select_n3A_34, %select_n3A_31 : i32
      %add3A_36 = arith.addi %select_n3A_35, %mul3A_6 : i32
      "tpu.trace_start"() <{level = 10 : i32, message = "ep_initialize_0"}> : () -> ()
      %rem3A = arith.constant 0 : i32
      %rem3A_37 = arith.constant 2 : i32
      %rem3A_38 = arith.remui %rem3A, %rem3A_37 : i32
      %mul3A_39 = arith.constant 128 : i32
      %mul3A_40 = arith.muli %mul3A_39, %add3A_11 : i32
      %dma_start3A = arith.constant 0 : i32
      %dma_start3A_41 = arith.constant 0 : i32
      %dma_start3A_42 = tpu.memref_slice %run_scoped3A[%rem3A_38, %dma_start3A, %dma_start3A_41] : memref<2x1x128xi32, #tpu.memory_space<vmem>> -> memref<1x1x128xi32, #tpu.memory_space<vmem>>
      %dma_start3A_43 = tpu.memref_squeeze %dma_start3A_42 : memref<1x1x128xi32, #tpu.memory_space<vmem>> -> memref<1x128xi32, #tpu.memory_space<vmem>>
      %dma_start3A_44 = arith.constant 0 : i32
      %dma_start3A_45 = tpu.memref_slice %arg3[%dma_start3A_44, %mul3A_40] : memref<1x57344xi32, #tpu.memory_space<hbm>> -> memref<1x128xi32, #tpu.memory_space<hbm>>
      %dma_start3A_46 = tpu.memref_slice %run_scoped3A_7[%rem3A_38] : memref<2x!tpu.dma_semaphore, #tpu.memory_space<semaphore_mem>> -> memref<1x!tpu.dma_semaphore, #tpu.memory_space<semaphore_mem>>
      %dma_start3A_47 = tpu.memref_squeeze %dma_start3A_46 : memref<1x!tpu.dma_semaphore, #tpu.memory_space<semaphore_mem>> -> memref<!tpu.dma_semaphore, #tpu.memory_space<semaphore_mem>>
      %dma_start3A_48 = arith.constant 0 : i32
      %dma_start3A_49 = arith.constant 0 : i32
      %dma_start3A_50 = tpu.memref_slice %run_scoped3A[%rem3A_38, %dma_start3A_48, %dma_start3A_49] : memref<2x1x128xi32, #tpu.memory_space<vmem>> -> memref<1x1x128xi32, #tpu.memory_space<vmem>>
      %dma_start3A_51 = tpu.memref_squeeze %dma_start3A_50 : memref<1x1x128xi32, #tpu.memory_space<vmem>> -> memref<1x128xi32, #tpu.memory_space<vmem>>
      %dma_start3A_52 = arith.constant 0 : i32
      %dma_start3A_53 = tpu.memref_slice %arg3[%dma_start3A_52, %mul3A_40] : memref<1x57344xi32, #tpu.memory_space<hbm>> -> memref<1x128xi32, #tpu.memory_space<hbm>>
      tpu.enqueue_dma source(%dma_start3A_53 : memref<1x128xi32, #tpu.memory_space<hbm>>) target(%dma_start3A_51 : memref<1x128xi32, #tpu.memory_space<vmem>>) target_semaphore(%dma_start3A_47 : memref<!tpu.dma_semaphore, #tpu.memory_space<semaphore_mem>>)
      %add3A_54 = arith.constant 0 : i32
      %add3A_55 = arith.constant 1 : i32
      %add3A_56 = arith.addi %add3A_54, %add3A_55 : i32
      %select_n3A_57 = arith.constant true
      %select_n3A_58 = arith.constant 0 : i32
      %select_n3A_59 = arith.select %select_n3A_57, %add3A_56, %select_n3A_58 : i32
      "tpu.trace_stop"() : () -> ()
      %scan3A = arith.constant 0 : i32
      %scan3A_60 = arith.constant 0 : i32
      %scan3A_61 = arith.constant 0 : i32
      %scan3A_62 = arith.constant 0 : i32
      %scan3A_63 = arith.constant 0 : i32
      %scan3A_64 = arith.constant 14 : i32
      %scan3A_65 = arith.addi %scan3A_63, %scan3A_64 : i32
      %scan3A_66 = arith.constant 1 : i32
      %scan3A_67:5 = scf.for %scan3A_121 = %scan3A_63 to %scan3A_65 step %scan3A_66 iter_args(%scan3A_122 = %select_n3A_59, %scan3A_123 = %scan3A, %scan3A_124 = %scan3A_60, %scan3A_125 = %scan3A_61, %scan3A_126 = %scan3A_62) -> (i32, i32, i32, i32, i32)  : i32 {
        %eq3A_127 = arith.constant 0 : i32
        %eq3A_128 = arith.cmpi eq, %scan3A_121, %eq3A_127 : i32
        %eq3A_129 = arith.constant 13 : i32
        %eq3A_130 = arith.cmpi eq, %scan3A_121, %eq3A_129 : i32
        %add3A_131 = arith.addi %scan3A_126, %mul3A_6 : i32
        %sub3A_132 = arith.constant 1 : i32
        %sub3A_133 = arith.subi %scan3A_126, %sub3A_132 : i32
        %select_n3A_134 = arith.constant true
        %select_n3A_135 = arith.select %select_n3A_134, %sub3A_133, %scan3A_126 : i32
        %eq3A_136 = arith.constant -1 : i32
        %eq3A_137 = arith.cmpi eq, %select_n3A_135, %eq3A_136 : i32
        %select_n3A_138 = arith.constant 13 : i32
        %select_n3A_139 = arith.select %eq3A_137, %select_n3A_138, %select_n3A_135 : i32
        %add3A_140 = arith.addi %select_n3A_139, %mul3A_6 : i32
        %add3A_141 = arith.constant 1 : i32
        %add3A_142 = arith.addi %scan3A_126, %add3A_141 : i32
        %select_n3A_143 = arith.constant true
        %select_n3A_144 = arith.select %select_n3A_143, %add3A_142, %scan3A_126 : i32
        %eq3A_145 = arith.constant 14 : i32
        %eq3A_146 = arith.cmpi eq, %select_n3A_144, %eq3A_145 : i32
        %select_n3A_147 = arith.constant 0 : i32
        %select_n3A_148 = arith.select %eq3A_146, %select_n3A_147, %select_n3A_144 : i32
        %add3A_149 = arith.addi %select_n3A_148, %mul3A_6 : i32
        %add3A_150 = arith.constant 1 : i32
        %add3A_151 = arith.addi %select_n3A_148, %add3A_150 : i32
        %select_n3A_152 = arith.constant true
        %select_n3A_153 = arith.select %select_n3A_152, %add3A_151, %select_n3A_148 : i32
        %eq3A_154 = arith.constant 14 : i32
        %eq3A_155 = arith.cmpi eq, %select_n3A_153, %eq3A_154 : i32
        %select_n3A_156 = arith.constant 0 : i32
        %select_n3A_157 = arith.select %eq3A_155, %select_n3A_156, %select_n3A_153 : i32
        %add3A_158 = arith.addi %select_n3A_157, %mul3A_6 : i32
        %ne3A = arith.cmpi ne, %add3A_131, %add3A_149 : i32
        %or3A = arith.constant false
        %or3A_159 = arith.ori %or3A, %ne3A : i1
        %ge3A = arith.constant 13 : i32
        %ge3A_160 = arith.cmpi sge, %scan3A_121, %ge3A : i32
        %not3A = arith.constant true
        %not3A_161 = arith.xori %ge3A_160, %not3A : i1
        %and3A = arith.andi %or3A_159, %not3A_161 : i1
        %convert_element_type3A = arith.extui %and3A : i1 to i32
        %cond3A = arith.constant 0 : i32
        %cond3A_162 = arith.cmpi ne, %convert_element_type3A, %cond3A : i32
        scf.if %cond3A_162 {
          "tpu.trace_start"() <{level = 10 : i32, message = "ep_copy_in"}> : () -> ()
          %rem3A_264 = arith.constant 2 : i32
          %rem3A_265 = arith.remui %scan3A_122, %rem3A_264 : i32
          %mul3A_266 = arith.constant 128 : i32
          %mul3A_267 = arith.muli %mul3A_266, %add3A_149 : i32
          %dma_start3A_268 = arith.constant 0 : i32
          %dma_start3A_269 = arith.constant 0 : i32
          %dma_start3A_270 = tpu.memref_slice %run_scoped3A[%rem3A_265, %dma_start3A_268, %dma_start3A_269] : memref<2x1x128xi32, #tpu.memory_space<vmem>> -> memref<1x1x128xi32, #tpu.memory_space<vmem>>
          %dma_start3A_271 = tpu.memref_squeeze %dma_start3A_270 : memref<1x1x128xi32, #tpu.memory_space<vmem>> -> memref<1x128xi32, #tpu.memory_space<vmem>>
          %dma_start3A_272 = arith.constant 0 : i32
          %dma_start3A_273 = tpu.memref_slice %arg3[%dma_start3A_272, %mul3A_267] : memref<1x57344xi32, #tpu.memory_space<hbm>> -> memref<1x128xi32, #tpu.memory_space<hbm>>
          %dma_start3A_274 = tpu.memref_slice %run_scoped3A_7[%rem3A_265] : memref<2x!tpu.dma_semaphore, #tpu.memory_space<semaphore_mem>> -> memref<1x!tpu.dma_semaphore, #tpu.memory_space<semaphore_mem>>
          %dma_start3A_275 = tpu.memref_squeeze %dma_start3A_274 : memref<1x!tpu.dma_semaphore, #tpu.memory_space<semaphore_mem>> -> memref<!tpu.dma_semaphore, #tpu.memory_space<semaphore_mem>>
          %dma_start3A_276 = arith.constant 0 : i32
          %dma_start3A_277 = arith.constant 0 : i32
          %dma_start3A_278 = tpu.memref_slice %run_scoped3A[%rem3A_265, %dma_start3A_276, %dma_start3A_277] : memref<2x1x128xi32, #tpu.memory_space<vmem>> -> memref<1x1x128xi32, #tpu.memory_space<vmem>>
          %dma_start3A_279 = tpu.memref_squeeze %dma_start3A_278 : memref<1x1x128xi32, #tpu.memory_space<vmem>> -> memref<1x128xi32, #tpu.memory_space<vmem>>
          %dma_start3A_280 = arith.constant 0 : i32
          %dma_start3A_281 = tpu.memref_slice %arg3[%dma_start3A_280, %mul3A_267] : memref<1x57344xi32, #tpu.memory_space<hbm>> -> memref<1x128xi32, #tpu.memory_space<hbm>>
          tpu.enqueue_dma source(%dma_start3A_281 : memref<1x128xi32, #tpu.memory_space<hbm>>) target(%dma_start3A_279 : memref<1x128xi32, #tpu.memory_space<vmem>>) target_semaphore(%dma_start3A_275 : memref<!tpu.dma_semaphore, #tpu.memory_space<semaphore_mem>>)
          "tpu.trace_stop"() : () -> ()
        } else {
        }
        %and3A_163 = arith.constant true
        %and3A_164 = arith.andi %and3A, %and3A_163 : i1
        %add3A_165 = arith.constant 1 : i32
        %add3A_166 = arith.addi %scan3A_122, %add3A_165 : i32
        %select_n3A_167 = arith.select %and3A_164, %add3A_166, %scan3A_122 : i32
        %ne3A_168 = arith.cmpi ne, %add3A_131, %add3A_149 : i32
        %or3A_169 = arith.constant false
        %or3A_170 = arith.ori %or3A_169, %ne3A_168 : i1
        %or3A_171 = arith.constant false
        %or3A_172 = arith.ori %or3A_170, %or3A_171 : i1
        %ge3A_173 = arith.constant 13 : i32
        %ge3A_174 = arith.cmpi sge, %scan3A_121, %ge3A_173 : i32
        %not3A_175 = arith.constant true
        %not3A_176 = arith.xori %ge3A_174, %not3A_175 : i1
        %and3A_177 = arith.andi %or3A_172, %not3A_176 : i1
        %ne3A_178 = arith.cmpi ne, %add3A_131, %add3A_140 : i32
        %or3A_179 = arith.constant false
        %or3A_180 = arith.ori %or3A_179, %ne3A_178 : i1
        %or3A_181 = arith.ori %or3A_180, %eq3A_128 : i1
        %convert_element_type3A_182 = arith.extui %or3A_181 : i1 to i32
        %cond3A_183 = arith.constant 0 : i32
        %cond3A_184 = arith.cmpi ne, %convert_element_type3A_182, %cond3A_183 : i32
        scf.if %cond3A_184 {
          "tpu.trace_start"() <{level = 10 : i32, message = "ep_wait_in"}> : () -> ()
          %mul3A_264 = arith.constant 128 : i32
          %mul3A_265 = arith.muli %mul3A_264, %add3A_131 : i32
          %rem3A_266 = arith.constant 2 : i32
          %rem3A_267 = arith.remui %scan3A_123, %rem3A_266 : i32
          %dma_wait3A_268 = arith.constant 0 : i32
          %dma_wait3A_269 = arith.constant 0 : i32
          %dma_wait3A_270 = tpu.memref_slice %run_scoped3A[%rem3A_267, %dma_wait3A_268, %dma_wait3A_269] : memref<2x1x128xi32, #tpu.memory_space<vmem>> -> memref<1x1x128xi32, #tpu.memory_space<vmem>>
          %dma_wait3A_271 = tpu.memref_squeeze %dma_wait3A_270 : memref<1x1x128xi32, #tpu.memory_space<vmem>> -> memref<1x128xi32, #tpu.memory_space<vmem>>
          %dma_wait3A_272 = arith.constant 0 : i32
          %dma_wait3A_273 = tpu.memref_slice %arg3[%dma_wait3A_272, %mul3A_265] : memref<1x57344xi32, #tpu.memory_space<hbm>> -> memref<1x128xi32, #tpu.memory_space<hbm>>
          %dma_wait3A_274 = tpu.memref_slice %run_scoped3A_7[%rem3A_267] : memref<2x!tpu.dma_semaphore, #tpu.memory_space<semaphore_mem>> -> memref<1x!tpu.dma_semaphore, #tpu.memory_space<semaphore_mem>>
          %dma_wait3A_275 = tpu.memref_squeeze %dma_wait3A_274 : memref<1x!tpu.dma_semaphore, #tpu.memory_space<semaphore_mem>> -> memref<!tpu.dma_semaphore, #tpu.memory_space<semaphore_mem>>
          %dma_wait3A_276 = arith.constant 0 : i32
          %dma_wait3A_277 = arith.constant 0 : i32
          %dma_wait3A_278 = tpu.memref_slice %run_scoped3A[%rem3A_267, %dma_wait3A_276, %dma_wait3A_277] : memref<2x1x128xi32, #tpu.memory_space<vmem>> -> memref<1x1x128xi32, #tpu.memory_space<vmem>>
          %dma_wait3A_279 = tpu.memref_squeeze %dma_wait3A_278 : memref<1x1x128xi32, #tpu.memory_space<vmem>> -> memref<1x128xi32, #tpu.memory_space<vmem>>
          %dma_wait3A_280 = arith.constant 0 : i32
          %dma_wait3A_281 = tpu.memref_slice %arg3[%dma_wait3A_280, %mul3A_265] : memref<1x57344xi32, #tpu.memory_space<hbm>> -> memref<1x128xi32, #tpu.memory_space<hbm>>
          tpu.wait_dma2 semaphore(%dma_wait3A_275 : memref<!tpu.dma_semaphore, #tpu.memory_space<semaphore_mem>>) src(%dma_wait3A_281 : memref<1x128xi32, #tpu.memory_space<hbm>>) dst(%dma_wait3A_279 : memref<1x128xi32, #tpu.memory_space<vmem>>)
          "tpu.trace_stop"() : () -> ()
        } else {
        }
        %ne3A_185 = arith.cmpi ne, %add3A_131, %add3A_140 : i32
        %or3A_186 = arith.constant false
        %or3A_187 = arith.ori %or3A_186, %ne3A_185 : i1
        %or3A_188 = arith.constant false
        %or3A_189 = arith.ori %or3A_187, %or3A_188 : i1
        %or3A_190 = arith.ori %or3A_189, %eq3A_128 : i1
        %convert_element_type3A_191 = arith.extui %or3A_190 : i1 to i32
        %cond3A_192 = arith.constant 0 : i32
        %cond3A_193 = arith.cmpi ne, %convert_element_type3A_191, %cond3A_192 : i32
        scf.if %cond3A_193 {
        } else {
        }
        %rem3A_194 = arith.constant 2 : i32
        %rem3A_195 = arith.remui %scan3A_123, %rem3A_194 : i32
        %rem3A_196 = arith.constant 2 : i32
        %rem3A_197 = arith.remui %scan3A_124, %rem3A_196 : i32
        %run_scoped3A_198 = arith.constant 0 : i32
        "tpu.trace_start"() <{level = 10 : i32, message = "ep_run_kernel"}> : () -> ()
        "tpu.region"() ({
          %run_scoped3A_264 = tpu.sem_alloc : memref<!tpu.dma_semaphore, #tpu.memory_space<semaphore_mem>>
          %dma_start3A_265 = arith.constant 0 : i32
          %dma_start3A_266 = arith.constant 0 : i32
          %dma_start3A_267 = tpu.memref_slice %run_scoped3A_8[%rem3A_197, %dma_start3A_265, %dma_start3A_266] : memref<2x128x128xf32, #tpu.memory_space<vmem>> -> memref<1x128x128xf32, #tpu.memory_space<vmem>>
          %dma_start3A_268 = tpu.memref_squeeze %dma_start3A_267 : memref<1x128x128xf32, #tpu.memory_space<vmem>> -> memref<128x128xf32, #tpu.memory_space<vmem>>
          %dma_start3A_269 = arith.constant 0 : i32
          %dma_start3A_270 = arith.constant 0 : i32
          %dma_start3A_271 = tpu.memref_slice %run_scoped3A[%rem3A_195, %dma_start3A_269, %dma_start3A_270] : memref<2x1x128xi32, #tpu.memory_space<vmem>> -> memref<1x1x128xi32, #tpu.memory_space<vmem>>
          %dma_start3A_272 = tpu.memref_squeeze %dma_start3A_271 : memref<1x1x128xi32, #tpu.memory_space<vmem>> -> memref<1x128xi32, #tpu.memory_space<vmem>>
          %dma_start3A_273 = arith.constant 0 : i32
          %dma_start3A_274 = tpu.memref_slice %dma_start3A_272[%run_scoped3A_198, %dma_start3A_273] : memref<1x128xi32, #tpu.memory_space<vmem>> -> memref<1x128xi32, #tpu.memory_space<vmem>>
          %dma_start3A_275 = tpu.memref_squeeze %dma_start3A_274 : memref<1x128xi32, #tpu.memory_space<vmem>> -> memref<128xi32, #tpu.memory_space<vmem>>
          %dma_start3A_276 = arith.constant 0 : i32
          %dma_start3A_277 = arith.constant 0 : i32
          %dma_start3A_278 = tpu.memref_slice %arg2[%dma_start3A_276, %dma_start3A_277] : memref<6272x128xf32, #tpu.memory_space<hbm>> -> memref<6272x128xf32, #tpu.memory_space<hbm>>
          tpu.enqueue_indirect_dma source(%dma_start3A_278 : memref<6272x128xf32, #tpu.memory_space<hbm>>) target(%dma_start3A_268 : memref<128x128xf32, #tpu.memory_space<vmem>>) offsets(%dma_start3A_275 : memref<128xi32, #tpu.memory_space<vmem>>) semaphore(%run_scoped3A_264 : memref<!tpu.dma_semaphore, #tpu.memory_space<semaphore_mem>>)
          %dma_wait3A_279 = arith.constant 0 : i32
          %dma_wait3A_280 = arith.constant 0 : i32
          %dma_wait3A_281 = tpu.memref_slice %run_scoped3A_8[%rem3A_197, %dma_wait3A_279, %dma_wait3A_280] : memref<2x128x128xf32, #tpu.memory_space<vmem>> -> memref<1x128x128xf32, #tpu.memory_space<vmem>>
          %dma_wait3A_282 = tpu.memref_squeeze %dma_wait3A_281 : memref<1x128x128xf32, #tpu.memory_space<vmem>> -> memref<128x128xf32, #tpu.memory_space<vmem>>
          %dma_wait3A_283 = arith.constant 0 : i32
          %dma_wait3A_284 = arith.constant 0 : i32
          %dma_wait3A_285 = tpu.memref_slice %run_scoped3A[%rem3A_195, %dma_wait3A_283, %dma_wait3A_284] : memref<2x1x128xi32, #tpu.memory_space<vmem>> -> memref<1x1x128xi32, #tpu.memory_space<vmem>>
          %dma_wait3A_286 = tpu.memref_squeeze %dma_wait3A_285 : memref<1x1x128xi32, #tpu.memory_space<vmem>> -> memref<1x128xi32, #tpu.memory_space<vmem>>
          %dma_wait3A_287 = arith.constant 0 : i32
          %dma_wait3A_288 = tpu.memref_slice %dma_wait3A_286[%run_scoped3A_198, %dma_wait3A_287] : memref<1x128xi32, #tpu.memory_space<vmem>> -> memref<1x128xi32, #tpu.memory_space<vmem>>
          %dma_wait3A_289 = tpu.memref_squeeze %dma_wait3A_288 : memref<1x128xi32, #tpu.memory_space<vmem>> -> memref<128xi32, #tpu.memory_space<vmem>>
          %dma_wait3A_290 = arith.constant 0 : i32
          %dma_wait3A_291 = arith.constant 0 : i32
          %dma_wait3A_292 = tpu.memref_slice %arg2[%dma_wait3A_290, %dma_wait3A_291] : memref<6272x128xf32, #tpu.memory_space<hbm>> -> memref<6272x128xf32, #tpu.memory_space<hbm>>
          tpu.wait_indirect_dma semaphore(%run_scoped3A_264 : memref<!tpu.dma_semaphore, #tpu.memory_space<semaphore_mem>>) src(%dma_wait3A_292 : memref<6272x128xf32, #tpu.memory_space<hbm>>) dst(%dma_wait3A_282 : memref<128x128xf32, #tpu.memory_space<vmem>>)
          tpu.yield
        }) : () -> ()
        "tpu.trace_stop"() : () -> ()
        %ne3A_199 = arith.cmpi ne, %add3A_131, %add3A_149 : i32
        %or3A_200 = arith.constant false
        %or3A_201 = arith.ori %or3A_200, %ne3A_199 : i1
        %or3A_202 = arith.ori %or3A_201, %eq3A_130 : i1
        %convert_element_type3A_203 = arith.extui %or3A_202 : i1 to i32
        %cond3A_204 = arith.constant 0 : i32
        %cond3A_205 = arith.cmpi ne, %convert_element_type3A_203, %cond3A_204 : i32
        scf.if %cond3A_205 {
        } else {
        }
        %and3A_206 = arith.constant false
        %and3A_207 = arith.andi %or3A_202, %and3A_206 : i1
        %ne3A_208 = arith.cmpi ne, %add3A_131, %add3A_149 : i32
        %or3A_209 = arith.constant false
        %or3A_210 = arith.ori %or3A_209, %ne3A_208 : i1
        %or3A_211 = arith.constant false
        %or3A_212 = arith.ori %or3A_210, %or3A_211 : i1
        %or3A_213 = arith.ori %or3A_212, %eq3A_130 : i1
        %convert_element_type3A_214 = arith.extui %or3A_213 : i1 to i32
        %cond3A_215 = arith.constant 0 : i32
        %cond3A_216 = arith.cmpi ne, %convert_element_type3A_214, %cond3A_215 : i32
        scf.if %cond3A_216 {
          "tpu.trace_start"() <{level = 10 : i32, message = "ep_copy_out"}> : () -> ()
          %rem3A_264 = arith.constant 2 : i32
          %rem3A_265 = arith.remui %scan3A_124, %rem3A_264 : i32
          %mul3A_266 = arith.constant 128 : i32
          %mul3A_267 = arith.muli %mul3A_266, %add3A_131 : i32
          %dma_start3A_268 = arith.constant 0 : i32
          %dma_start3A_269 = arith.constant 0 : i32
          %dma_start3A_270 = tpu.memref_slice %run_scoped3A_8[%rem3A_265, %dma_start3A_268, %dma_start3A_269] : memref<2x128x128xf32, #tpu.memory_space<vmem>> -> memref<1x128x128xf32, #tpu.memory_space<vmem>>
          %dma_start3A_271 = tpu.memref_squeeze %dma_start3A_270 : memref<1x128x128xf32, #tpu.memory_space<vmem>> -> memref<128x128xf32, #tpu.memory_space<vmem>>
          %dma_start3A_272 = arith.constant 0 : i32
          %dma_start3A_273 = tpu.memref_slice %arg4[%mul3A_267, %dma_start3A_272] : memref<57344x128xf32, #tpu.memory_space<hbm>> -> memref<128x128xf32, #tpu.memory_space<hbm>>
          %dma_start3A_274 = tpu.memref_slice %run_scoped3A_9[%rem3A_265] : memref<2x!tpu.dma_semaphore, #tpu.memory_space<semaphore_mem>> -> memref<1x!tpu.dma_semaphore, #tpu.memory_space<semaphore_mem>>
          %dma_start3A_275 = tpu.memref_squeeze %dma_start3A_274 : memref<1x!tpu.dma_semaphore, #tpu.memory_space<semaphore_mem>> -> memref<!tpu.dma_semaphore, #tpu.memory_space<semaphore_mem>>
          %dma_start3A_276 = arith.constant 0 : i32
          %dma_start3A_277 = tpu.memref_slice %arg4[%mul3A_267, %dma_start3A_276] : memref<57344x128xf32, #tpu.memory_space<hbm>> -> memref<128x128xf32, #tpu.memory_space<hbm>>
          %dma_start3A_278 = arith.constant 0 : i32
          %dma_start3A_279 = arith.constant 0 : i32
          %dma_start3A_280 = tpu.memref_slice %run_scoped3A_8[%rem3A_265, %dma_start3A_278, %dma_start3A_279] : memref<2x128x128xf32, #tpu.memory_space<vmem>> -> memref<1x128x128xf32, #tpu.memory_space<vmem>>
          %dma_start3A_281 = tpu.memref_squeeze %dma_start3A_280 : memref<1x128x128xf32, #tpu.memory_space<vmem>> -> memref<128x128xf32, #tpu.memory_space<vmem>>
          tpu.enqueue_dma source(%dma_start3A_281 : memref<128x128xf32, #tpu.memory_space<vmem>>) target(%dma_start3A_277 : memref<128x128xf32, #tpu.memory_space<hbm>>) target_semaphore(%dma_start3A_275 : memref<!tpu.dma_semaphore, #tpu.memory_space<semaphore_mem>>)
          "tpu.trace_stop"() : () -> ()
        } else {
        }
        %and3A_217 = arith.constant true
        %and3A_218 = arith.andi %or3A_213, %and3A_217 : i1
        %add3A_219 = arith.constant 1 : i32
        %add3A_220 = arith.addi %scan3A_124, %add3A_219 : i32
        %select_n3A_221 = arith.select %and3A_218, %add3A_220, %scan3A_124 : i32
        %ne3A_222 = arith.cmpi ne, %add3A_131, %add3A_140 : i32
        %or3A_223 = arith.constant false
        %or3A_224 = arith.ori %or3A_223, %ne3A_222 : i1
        %not3A_225 = arith.constant true
        %not3A_226 = arith.xori %eq3A_128, %not3A_225 : i1
        %and3A_227 = arith.andi %or3A_224, %not3A_226 : i1
        %convert_element_type3A_228 = arith.extui %and3A_227 : i1 to i32
        %cond3A_229 = arith.constant 0 : i32
        %cond3A_230 = arith.cmpi ne, %convert_element_type3A_228, %cond3A_229 : i32
        scf.if %cond3A_230 {
        } else {
        }
        %and3A_231 = arith.constant false
        %and3A_232 = arith.andi %and3A_227, %and3A_231 : i1
        %ne3A_233 = arith.cmpi ne, %add3A_131, %add3A_140 : i32
        %or3A_234 = arith.constant false
        %or3A_235 = arith.ori %or3A_234, %ne3A_233 : i1
        %or3A_236 = arith.constant false
        %or3A_237 = arith.ori %or3A_235, %or3A_236 : i1
        %not3A_238 = arith.constant true
        %not3A_239 = arith.xori %eq3A_128, %not3A_238 : i1
        %and3A_240 = arith.andi %or3A_237, %not3A_239 : i1
        %convert_element_type3A_241 = arith.extui %and3A_240 : i1 to i32
        %cond3A_242 = arith.constant 0 : i32
        %cond3A_243 = arith.cmpi ne, %convert_element_type3A_241, %cond3A_242 : i32
        scf.if %cond3A_243 {
          "tpu.trace_start"() <{level = 10 : i32, message = "ep_wait_out"}> : () -> ()
          %rem3A_264 = arith.constant 2 : i32
          %rem3A_265 = arith.remui %scan3A_125, %rem3A_264 : i32
          %mul3A_266 = arith.constant 128 : i32
          %mul3A_267 = arith.muli %mul3A_266, %add3A_140 : i32
          %dma_wait3A_268 = arith.constant 0 : i32
          %dma_wait3A_269 = arith.constant 0 : i32
          %dma_wait3A_270 = tpu.memref_slice %run_scoped3A_8[%rem3A_265, %dma_wait3A_268, %dma_wait3A_269] : memref<2x128x128xf32, #tpu.memory_space<vmem>> -> memref<1x128x128xf32, #tpu.memory_space<vmem>>
          %dma_wait3A_271 = tpu.memref_squeeze %dma_wait3A_270 : memref<1x128x128xf32, #tpu.memory_space<vmem>> -> memref<128x128xf32, #tpu.memory_space<vmem>>
          %dma_wait3A_272 = arith.constant 0 : i32
          %dma_wait3A_273 = tpu.memref_slice %arg4[%mul3A_267, %dma_wait3A_272] : memref<57344x128xf32, #tpu.memory_space<hbm>> -> memref<128x128xf32, #tpu.memory_space<hbm>>
          %dma_wait3A_274 = tpu.memref_slice %run_scoped3A_9[%rem3A_265] : memref<2x!tpu.dma_semaphore, #tpu.memory_space<semaphore_mem>> -> memref<1x!tpu.dma_semaphore, #tpu.memory_space<semaphore_mem>>
          %dma_wait3A_275 = tpu.memref_squeeze %dma_wait3A_274 : memref<1x!tpu.dma_semaphore, #tpu.memory_space<semaphore_mem>> -> memref<!tpu.dma_semaphore, #tpu.memory_space<semaphore_mem>>
          %dma_wait3A_276 = arith.constant 0 : i32
          %dma_wait3A_277 = tpu.memref_slice %arg4[%mul3A_267, %dma_wait3A_276] : memref<57344x128xf32, #tpu.memory_space<hbm>> -> memref<128x128xf32, #tpu.memory_space<hbm>>
          %dma_wait3A_278 = arith.constant 0 : i32
          %dma_wait3A_279 = arith.constant 0 : i32
          %dma_wait3A_280 = tpu.memref_slice %run_scoped3A_8[%rem3A_265, %dma_wait3A_278, %dma_wait3A_279] : memref<2x128x128xf32, #tpu.memory_space<vmem>> -> memref<1x128x128xf32, #tpu.memory_space<vmem>>
          %dma_wait3A_281 = tpu.memref_squeeze %dma_wait3A_280 : memref<1x128x128xf32, #tpu.memory_space<vmem>> -> memref<128x128xf32, #tpu.memory_space<vmem>>
          tpu.wait_dma2 semaphore(%dma_wait3A_275 : memref<!tpu.dma_semaphore, #tpu.memory_space<semaphore_mem>>) src(%dma_wait3A_281 : memref<128x128xf32, #tpu.memory_space<vmem>>) dst(%dma_wait3A_277 : memref<128x128xf32, #tpu.memory_space<hbm>>)
          "tpu.trace_stop"() : () -> ()
        } else {
        }
        %and3A_244 = arith.constant true
        %and3A_245 = arith.andi %and3A_240, %and3A_244 : i1
        %add3A_246 = arith.constant 1 : i32
        %add3A_247 = arith.addi %scan3A_125, %add3A_246 : i32
        %select_n3A_248 = arith.select %and3A_245, %add3A_247, %scan3A_125 : i32
        %ne3A_249 = arith.cmpi ne, %add3A_131, %add3A_149 : i32
        %or3A_250 = arith.constant false
        %or3A_251 = arith.ori %or3A_250, %ne3A_249 : i1
        %or3A_252 = arith.ori %or3A_251, %eq3A_130 : i1
        %add3A_253 = arith.constant 1 : i32
        %add3A_254 = arith.addi %scan3A_123, %add3A_253 : i32
        %select_n3A_255 = arith.select %or3A_252, %add3A_254, %scan3A_123 : i32
        %add3A_256 = arith.constant 1 : i32
        %add3A_257 = arith.addi %scan3A_126, %add3A_256 : i32
        %select_n3A_258 = arith.constant true
        %select_n3A_259 = arith.select %select_n3A_258, %add3A_257, %scan3A_126 : i32
        %eq3A_260 = arith.constant 14 : i32
        %eq3A_261 = arith.cmpi eq, %select_n3A_259, %eq3A_260 : i32
        %select_n3A_262 = arith.constant 0 : i32
        %select_n3A_263 = arith.select %eq3A_261, %select_n3A_262, %select_n3A_259 : i32
        scf.yield %select_n3A_167, %select_n3A_255, %select_n3A_221, %select_n3A_248, %select_n3A_263 : i32, i32, i32, i32, i32
      }
      %scan3A_68 = arith.constant 14 : i32
      %sub3A = arith.constant 1 : i32
      %sub3A_69 = arith.subi %scan3A_67#4, %sub3A : i32
      %select_n3A_70 = arith.constant true
      %select_n3A_71 = arith.select %select_n3A_70, %sub3A_69, %scan3A_67#4 : i32
      %eq3A_72 = arith.constant -1 : i32
      %eq3A_73 = arith.cmpi eq, %select_n3A_71, %eq3A_72 : i32
      %select_n3A_74 = arith.constant 13 : i32
      %select_n3A_75 = arith.select %eq3A_73, %select_n3A_74, %select_n3A_71 : i32
      %add3A_76 = arith.addi %select_n3A_75, %mul3A_6 : i32
      %sub3A_77 = arith.constant 1 : i32
      %sub3A_78 = arith.subi %select_n3A_75, %sub3A_77 : i32
      %select_n3A_79 = arith.constant true
      %select_n3A_80 = arith.select %select_n3A_79, %sub3A_78, %select_n3A_75 : i32
      %eq3A_81 = arith.constant -1 : i32
      %eq3A_82 = arith.cmpi eq, %select_n3A_80, %eq3A_81 : i32
      %select_n3A_83 = arith.constant 13 : i32
      %select_n3A_84 = arith.select %eq3A_82, %select_n3A_83, %select_n3A_80 : i32
      %add3A_85 = arith.addi %select_n3A_84, %mul3A_6 : i32
      %add3A_86 = arith.constant 1 : i32
      %add3A_87 = arith.addi %select_n3A_75, %add3A_86 : i32
      %select_n3A_88 = arith.constant true
      %select_n3A_89 = arith.select %select_n3A_88, %add3A_87, %select_n3A_75 : i32
      %eq3A_90 = arith.constant 14 : i32
      %eq3A_91 = arith.cmpi eq, %select_n3A_89, %eq3A_90 : i32
      %select_n3A_92 = arith.constant 0 : i32
      %select_n3A_93 = arith.select %eq3A_91, %select_n3A_92, %select_n3A_89 : i32
      %add3A_94 = arith.addi %select_n3A_93, %mul3A_6 : i32
      %add3A_95 = arith.constant 1 : i32
      %add3A_96 = arith.addi %select_n3A_93, %add3A_95 : i32
      %select_n3A_97 = arith.constant true
      %select_n3A_98 = arith.select %select_n3A_97, %add3A_96, %select_n3A_93 : i32
      %eq3A_99 = arith.constant 14 : i32
      %eq3A_100 = arith.cmpi eq, %select_n3A_98, %eq3A_99 : i32
      %select_n3A_101 = arith.constant 0 : i32
      %select_n3A_102 = arith.select %eq3A_100, %select_n3A_101, %select_n3A_98 : i32
      %add3A_103 = arith.addi %select_n3A_102, %mul3A_6 : i32
      "tpu.trace_start"() <{level = 10 : i32, message = "ep_finalize"}> : () -> ()
      %rem3A_104 = arith.constant 2 : i32
      %rem3A_105 = arith.remui %scan3A_67#3, %rem3A_104 : i32
      %mul3A_106 = arith.constant 128 : i32
      %mul3A_107 = arith.muli %mul3A_106, %add3A_76 : i32
      %dma_wait3A = arith.constant 0 : i32
      %dma_wait3A_108 = arith.constant 0 : i32
      %dma_wait3A_109 = tpu.memref_slice %run_scoped3A_8[%rem3A_105, %dma_wait3A, %dma_wait3A_108] : memref<2x128x128xf32, #tpu.memory_space<vmem>> -> memref<1x128x128xf32, #tpu.memory_space<vmem>>
      %dma_wait3A_110 = tpu.memref_squeeze %dma_wait3A_109 : memref<1x128x128xf32, #tpu.memory_space<vmem>> -> memref<128x128xf32, #tpu.memory_space<vmem>>
      %dma_wait3A_111 = arith.constant 0 : i32
      %dma_wait3A_112 = tpu.memref_slice %arg4[%mul3A_107, %dma_wait3A_111] : memref<57344x128xf32, #tpu.memory_space<hbm>> -> memref<128x128xf32, #tpu.memory_space<hbm>>
      %dma_wait3A_113 = tpu.memref_slice %run_scoped3A_9[%rem3A_105] : memref<2x!tpu.dma_semaphore, #tpu.memory_space<semaphore_mem>> -> memref<1x!tpu.dma_semaphore, #tpu.memory_space<semaphore_mem>>
      %dma_wait3A_114 = tpu.memref_squeeze %dma_wait3A_113 : memref<1x!tpu.dma_semaphore, #tpu.memory_space<semaphore_mem>> -> memref<!tpu.dma_semaphore, #tpu.memory_space<semaphore_mem>>
      %dma_wait3A_115 = arith.constant 0 : i32
      %dma_wait3A_116 = tpu.memref_slice %arg4[%mul3A_107, %dma_wait3A_115] : memref<57344x128xf32, #tpu.memory_space<hbm>> -> memref<128x128xf32, #tpu.memory_space<hbm>>
      %dma_wait3A_117 = arith.constant 0 : i32
      %dma_wait3A_118 = arith.constant 0 : i32
      %dma_wait3A_119 = tpu.memref_slice %run_scoped3A_8[%rem3A_105, %dma_wait3A_117, %dma_wait3A_118] : memref<2x128x128xf32, #tpu.memory_space<vmem>> -> memref<1x128x128xf32, #tpu.memory_space<vmem>>
      %dma_wait3A_120 = tpu.memref_squeeze %dma_wait3A_119 : memref<1x128x128xf32, #tpu.memory_space<vmem>> -> memref<128x128xf32, #tpu.memory_space<vmem>>
      tpu.wait_dma2 semaphore(%dma_wait3A_114 : memref<!tpu.dma_semaphore, #tpu.memory_space<semaphore_mem>>) src(%dma_wait3A_120 : memref<128x128xf32, #tpu.memory_space<vmem>>) dst(%dma_wait3A_116 : memref<128x128xf32, #tpu.memory_space<hbm>>)
      "tpu.trace_stop"() : () -> ()
      tpu.yield
    }) : () -> ()
    return
  }
}

#map = affine_map<(d0, d1) -> (0, 0)>
module attributes {stable_mosaic.version = 14 : i64} {
  func.func @k(%arg0: i32, %arg1: i32, %arg2: memref<6272x128xf32, #tpu.memory_space<hbm>>, %arg3: memref<1x57344xi32, #tpu.memory_space<hbm>>, %arg4: memref<57344x128xf32, #tpu.memory_space<hbm>>) attributes {dimension_semantics = [#tpu.dimension_semantics<core_parallel>, #tpu.dimension_semantics<subcore_parallel>], iteration_bounds = array<i64: 2, 16>, scalar_prefetch = 0 : i64, scratch_operands = 0 : i64, tpu.core_type = #tpu.core_type<sc_vector_subcore>, window_params = [{transform_indices = #map}, {transform_indices = #map}, {transform_indices = #map}]} {
    %mul3A = arith.constant 1 : i32
    %mul3A_0 = arith.muli %arg1, %mul3A : i32
    %add3A = arith.constant 0 : i32
    %add3A_1 = arith.addi %add3A, %mul3A_0 : i32
    %mul3A_2 = arith.constant 16 : i32
    %mul3A_3 = arith.muli %arg0, %mul3A_2 : i32
    %add3A_4 = arith.addi %add3A_1, %mul3A_3 : i32
    %mul3A_5 = arith.constant 14 : i32
    %mul3A_6 = arith.muli %add3A_4, %mul3A_5 : i32
    "tpu.region"() ({
      %run_scoped3A = memref.alloca() : memref<2x1x128xi32, #tpu.memory_space<vmem>>
      %run_scoped3A_7 = tpu.sem_alloc : memref<2x!tpu.dma_semaphore, #tpu.memory_space<semaphore_mem>>
      %run_scoped3A_8 = memref.alloca() : memref<2x128x128xf32, #tpu.memory_space<vmem>>
      %run_scoped3A_9 = tpu.sem_alloc : memref<2x!tpu.dma_semaphore, #tpu.memory_space<semaphore_mem>>
      %add3A_10 = arith.constant 0 : i32
      %add3A_11 = arith.addi %add3A_10, %mul3A_6 : i32
      %select_n3A = arith.constant true
      %select_n3A_12 = arith.constant 0 : i32
      %select_n3A_13 = arith.constant -1 : i32
      %select_n3A_14 = arith.select %select_n3A, %select_n3A_13, %select_n3A_12 : i32
      %eq3A = arith.constant -1 : i32
      %eq3A_15 = arith.cmpi eq, %select_n3A_14, %eq3A : i32
      %select_n3A_16 = arith.constant 13 : i32
      %select_n3A_17 = arith.select %eq3A_15, %select_n3A_16, %select_n3A_14 : i32
      %add3A_18 = arith.addi %select_n3A_17, %mul3A_6 : i32
      %select_n3A_19 = arith.constant true
      %select_n3A_20 = arith.constant 0 : i32
      %select_n3A_21 = arith.constant 1 : i32
      %select_n3A_22 = arith.select %select_n3A_19, %select_n3A_21, %select_n3A_20 : i32
      %eq3A_23 = arith.constant 14 : i32
      %eq3A_24 = arith.cmpi eq, %select_n3A_22, %eq3A_23 : i32
      %select_n3A_25 = arith.constant 0 : i32
      %select_n3A_26 = arith.select %eq3A_24, %select_n3A_25, %select_n3A_22 : i32
      %add3A_27 = arith.addi %select_n3A_26, %mul3A_6 : i32
      %add3A_28 = arith.constant 1 : i32
      %add3A_29 = arith.addi %select_n3A_26, %add3A_28 : i32
      %select_n3A_30 = arith.constant true
      %select_n3A_31 = arith.select %select_n3A_30, %add3A_29, %select_n3A_26 : i32
      %eq3A_32 = arith.constant 14 : i32
      %eq3A_33 = arith.cmpi eq, %select_n3A_31, %eq3A_32 : i32
      %select_n3A_34 = arith.constant 0 : i32
      %select_n3A_35 = arith.select %eq3A_33, %select_n3A_34, %select_n3A_31 : i32
      %add3A_36 = arith.addi %select_n3A_35, %mul3A_6 : i32
      "tpu.trace_start"() <{level = 10 : i32, message = "ep_initialize_0"}> : () -> ()
      %rem3A = arith.constant 0 : i32
      %rem3A_37 = arith.constant 2 : i32
      %rem3A_38 = arith.remui %rem3A, %rem3A_37 : i32
      %mul3A_39 = arith.constant 128 : i32
      %mul3A_40 = arith.muli %mul3A_39, %add3A_11 : i32
      %dma_start3A = arith.constant 0 : i32
      %dma_start3A_41 = arith.constant 0 : i32
      %dma_start3A_42 = tpu.memref_slice %run_scoped3A[%rem3A_38, %dma_start3A, %dma_start3A_41] : memref<2x1x128xi32, #tpu.memory_space<vmem>> -> memref<1x1x128xi32, #tpu.memory_space<vmem>>
      %dma_start3A_43 = tpu.memref_squeeze %dma_start3A_42 : memref<1x1x128xi32, #tpu.memory_space<vmem>> -> memref<1x128xi32, #tpu.memory_space<vmem>>
      %dma_start3A_44 = arith.constant 0 : i32
      %dma_start3A_45 = tpu.memref_slice %arg3[%dma_start3A_44, %mul3A_40] : memref<1x57344xi32, #tpu.memory_space<hbm>> -> memref<1x128xi32, #tpu.memory_space<hbm>>
      %dma_start3A_46 = tpu.memref_slice %run_scoped3A_7[%rem3A_38] : memref<2x!tpu.dma_semaphore, #tpu.memory_space<semaphore_mem>> -> memref<1x!tpu.dma_semaphore, #tpu.memory_space<semaphore_mem>>
      %dma_start3A_47 = tpu.memref_squeeze %dma_start3A_46 : memref<1x!tpu.dma_semaphore, #tpu.memory_space<semaphore_mem>> -> memref<!tpu.dma_semaphore, #tpu.memory_space<semaphore_mem>>
      %dma_start3A_48 = arith.constant 0 : i32
      %dma_start3A_49 = arith.constant 0 : i32
      %dma_start3A_50 = tpu.memref_slice %run_scoped3A[%rem3A_38, %dma_start3A_48, %dma_start3A_49] : memref<2x1x128xi32, #tpu.memory_space<vmem>> -> memref<1x1x128xi32, #tpu.memory_space<vmem>>
      %dma_start3A_51 = tpu.memref_squeeze %dma_start3A_50 : memref<1x1x128xi32, #tpu.memory_space<vmem>> -> memref<1x128xi32, #tpu.memory_space<vmem>>
      %dma_start3A_52 = arith.constant 0 : i32
      %dma_start3A_53 = tpu.memref_slice %arg3[%dma_start3A_52, %mul3A_40] : memref<1x57344xi32, #tpu.memory_space<hbm>> -> memref<1x128xi32, #tpu.memory_space<hbm>>
      tpu.enqueue_dma source(%dma_start3A_53 : memref<1x128xi32, #tpu.memory_space<hbm>>) target(%dma_start3A_51 : memref<1x128xi32, #tpu.memory_space<vmem>>) target_semaphore(%dma_start3A_47 : memref<!tpu.dma_semaphore, #tpu.memory_space<semaphore_mem>>)
      %add3A_54 = arith.constant 0 : i32
      %add3A_55 = arith.constant 1 : i32
      %add3A_56 = arith.addi %add3A_54, %add3A_55 : i32
      %select_n3A_57 = arith.constant true
      %select_n3A_58 = arith.constant 0 : i32
      %select_n3A_59 = arith.select %select_n3A_57, %add3A_56, %select_n3A_58 : i32
      "tpu.trace_stop"() : () -> ()
      %scan3A = arith.constant 0 : i32
      %scan3A_60 = arith.constant 0 : i32
      %scan3A_61 = arith.constant 0 : i32
      %scan3A_62 = arith.constant 0 : i32
      %scan3A_63 = arith.constant 0 : i32
      %scan3A_64 = arith.constant 14 : i32
      %scan3A_65 = arith.addi %scan3A_63, %scan3A_64 : i32
      %scan3A_66 = arith.constant 1 : i32
      %scan3A_67:5 = scf.for %scan3A_121 = %scan3A_63 to %scan3A_65 step %scan3A_66 iter_args(%scan3A_122 = %select_n3A_59, %scan3A_123 = %scan3A, %scan3A_124 = %scan3A_60, %scan3A_125 = %scan3A_61, %scan3A_126 = %scan3A_62) -> (i32, i32, i32, i32, i32)  : i32 {
        %eq3A_127 = arith.constant 0 : i32
        %eq3A_128 = arith.cmpi eq, %scan3A_121, %eq3A_127 : i32
        %eq3A_129 = arith.constant 13 : i32
        %eq3A_130 = arith.cmpi eq, %scan3A_121, %eq3A_129 : i32
        %add3A_131 = arith.addi %scan3A_126, %mul3A_6 : i32
        %sub3A_132 = arith.constant 1 : i32
        %sub3A_133 = arith.subi %scan3A_126, %sub3A_132 : i32
        %select_n3A_134 = arith.constant true
        %select_n3A_135 = arith.select %select_n3A_134, %sub3A_133, %scan3A_126 : i32
        %eq3A_136 = arith.constant -1 : i32
        %eq3A_137 = arith.cmpi eq, %select_n3A_135, %eq3A_136 : i32
        %select_n3A_138 = arith.constant 13 : i32
        %select_n3A_139 = arith.select %eq3A_137, %select_n3A_138, %select_n3A_135 : i32
        %add3A_140 = arith.addi %select_n3A_139, %mul3A_6 : i32
        %add3A_141 = arith.constant 1 : i32
        %add3A_142 = arith.addi %scan3A_126, %add3A_141 : i32
        %select_n3A_143 = arith.constant true
        %select_n3A_144 = arith.select %select_n3A_143, %add3A_142, %scan3A_126 : i32
        %eq3A_145 = arith.constant 14 : i32
        %eq3A_146 = arith.cmpi eq, %select_n3A_144, %eq3A_145 : i32
        %select_n3A_147 = arith.constant 0 : i32
        %select_n3A_148 = arith.select %eq3A_146, %select_n3A_147, %select_n3A_144 : i32
        %add3A_149 = arith.addi %select_n3A_148, %mul3A_6 : i32
        %add3A_150 = arith.constant 1 : i32
        %add3A_151 = arith.addi %select_n3A_148, %add3A_150 : i32
        %select_n3A_152 = arith.constant true
        %select_n3A_153 = arith.select %select_n3A_152, %add3A_151, %select_n3A_148 : i32
        %eq3A_154 = arith.constant 14 : i32
        %eq3A_155 = arith.cmpi eq, %select_n3A_153, %eq3A_154 : i32
        %select_n3A_156 = arith.constant 0 : i32
        %select_n3A_157 = arith.select %eq3A_155, %select_n3A_156, %select_n3A_153 : i32
        %add3A_158 = arith.addi %select_n3A_157, %mul3A_6 : i32
        %ne3A = arith.cmpi ne, %add3A_131, %add3A_149 : i32
        %or3A = arith.constant false
        %or3A_159 = arith.ori %or3A, %ne3A : i1
        %ge3A = arith.constant 13 : i32
        %ge3A_160 = arith.cmpi sge, %scan3A_121, %ge3A : i32
        %not3A = arith.constant true
        %not3A_161 = arith.xori %ge3A_160, %not3A : i1
        %and3A = arith.andi %or3A_159, %not3A_161 : i1
        %convert_element_type3A = arith.extui %and3A : i1 to i32
        %cond3A = arith.constant 0 : i32
        %cond3A_162 = arith.cmpi ne, %convert_element_type3A, %cond3A : i32
        scf.if %cond3A_162 {
          "tpu.trace_start"() <{level = 10 : i32, message = "ep_copy_in"}> : () -> ()
          %rem3A_264 = arith.constant 2 : i32
          %rem3A_265 = arith.remui %scan3A_122, %rem3A_264 : i32
          %mul3A_266 = arith.constant 128 : i32
          %mul3A_267 = arith.muli %mul3A_266, %add3A_149 : i32
          %dma_start3A_268 = arith.constant 0 : i32
          %dma_start3A_269 = arith.constant 0 : i32
          %dma_start3A_270 = tpu.memref_slice %run_scoped3A[%rem3A_265, %dma_start3A_268, %dma_start3A_269] : memref<2x1x128xi32, #tpu.memory_space<vmem>> -> memref<1x1x128xi32, #tpu.memory_space<vmem>>
          %dma_start3A_271 = tpu.memref_squeeze %dma_start3A_270 : memref<1x1x128xi32, #tpu.memory_space<vmem>> -> memref<1x128xi32, #tpu.memory_space<vmem>>
          %dma_start3A_272 = arith.constant 0 : i32
          %dma_start3A_273 = tpu.memref_slice %arg3[%dma_start3A_272, %mul3A_267] : memref<1x57344xi32, #tpu.memory_space<hbm>> -> memref<1x128xi32, #tpu.memory_space<hbm>>
          %dma_start3A_274 = tpu.memref_slice %run_scoped3A_7[%rem3A_265] : memref<2x!tpu.dma_semaphore, #tpu.memory_space<semaphore_mem>> -> memref<1x!tpu.dma_semaphore, #tpu.memory_space<semaphore_mem>>
          %dma_start3A_275 = tpu.memref_squeeze %dma_start3A_274 : memref<1x!tpu.dma_semaphore, #tpu.memory_space<semaphore_mem>> -> memref<!tpu.dma_semaphore, #tpu.memory_space<semaphore_mem>>
          %dma_start3A_276 = arith.constant 0 : i32
          %dma_start3A_277 = arith.constant 0 : i32
          %dma_start3A_278 = tpu.memref_slice %run_scoped3A[%rem3A_265, %dma_start3A_276, %dma_start3A_277] : memref<2x1x128xi32, #tpu.memory_space<vmem>> -> memref<1x1x128xi32, #tpu.memory_space<vmem>>
          %dma_start3A_279 = tpu.memref_squeeze %dma_start3A_278 : memref<1x1x128xi32, #tpu.memory_space<vmem>> -> memref<1x128xi32, #tpu.memory_space<vmem>>
          %dma_start3A_280 = arith.constant 0 : i32
          %dma_start3A_281 = tpu.memref_slice %arg3[%dma_start3A_280, %mul3A_267] : memref<1x57344xi32, #tpu.memory_space<hbm>> -> memref<1x128xi32, #tpu.memory_space<hbm>>
          tpu.enqueue_dma source(%dma_start3A_281 : memref<1x128xi32, #tpu.memory_space<hbm>>) target(%dma_start3A_279 : memref<1x128xi32, #tpu.memory_space<vmem>>) target_semaphore(%dma_start3A_275 : memref<!tpu.dma_semaphore, #tpu.memory_space<semaphore_mem>>)
          "tpu.trace_stop"() : () -> ()
        } else {
        }
        %and3A_163 = arith.constant true
        %and3A_164 = arith.andi %and3A, %and3A_163 : i1
        %add3A_165 = arith.constant 1 : i32
        %add3A_166 = arith.addi %scan3A_122, %add3A_165 : i32
        %select_n3A_167 = arith.select %and3A_164, %add3A_166, %scan3A_122 : i32
        %ne3A_168 = arith.cmpi ne, %add3A_131, %add3A_149 : i32
        %or3A_169 = arith.constant false
        %or3A_170 = arith.ori %or3A_169, %ne3A_168 : i1
        %or3A_171 = arith.constant false
        %or3A_172 = arith.ori %or3A_170, %or3A_171 : i1
        %ge3A_173 = arith.constant 13 : i32
        %ge3A_174 = arith.cmpi sge, %scan3A_121, %ge3A_173 : i32
        %not3A_175 = arith.constant true
        %not3A_176 = arith.xori %ge3A_174, %not3A_175 : i1
        %and3A_177 = arith.andi %or3A_172, %not3A_176 : i1
        %ne3A_178 = arith.cmpi ne, %add3A_131, %add3A_140 : i32
        %or3A_179 = arith.constant false
        %or3A_180 = arith.ori %or3A_179, %ne3A_178 : i1
        %or3A_181 = arith.ori %or3A_180, %eq3A_128 : i1
        %convert_element_type3A_182 = arith.extui %or3A_181 : i1 to i32
        %cond3A_183 = arith.constant 0 : i32
        %cond3A_184 = arith.cmpi ne, %convert_element_type3A_182, %cond3A_183 : i32
        scf.if %cond3A_184 {
          "tpu.trace_start"() <{level = 10 : i32, message = "ep_wait_in"}> : () -> ()
          %mul3A_264 = arith.constant 128 : i32
          %mul3A_265 = arith.muli %mul3A_264, %add3A_131 : i32
          %rem3A_266 = arith.constant 2 : i32
          %rem3A_267 = arith.remui %scan3A_123, %rem3A_266 : i32
          %dma_wait3A_268 = arith.constant 0 : i32
          %dma_wait3A_269 = arith.constant 0 : i32
          %dma_wait3A_270 = tpu.memref_slice %run_scoped3A[%rem3A_267, %dma_wait3A_268, %dma_wait3A_269] : memref<2x1x128xi32, #tpu.memory_space<vmem>> -> memref<1x1x128xi32, #tpu.memory_space<vmem>>
          %dma_wait3A_271 = tpu.memref_squeeze %dma_wait3A_270 : memref<1x1x128xi32, #tpu.memory_space<vmem>> -> memref<1x128xi32, #tpu.memory_space<vmem>>
          %dma_wait3A_272 = arith.constant 0 : i32
          %dma_wait3A_273 = tpu.memref_slice %arg3[%dma_wait3A_272, %mul3A_265] : memref<1x57344xi32, #tpu.memory_space<hbm>> -> memref<1x128xi32, #tpu.memory_space<hbm>>
          %dma_wait3A_274 = tpu.memref_slice %run_scoped3A_7[%rem3A_267] : memref<2x!tpu.dma_semaphore, #tpu.memory_space<semaphore_mem>> -> memref<1x!tpu.dma_semaphore, #tpu.memory_space<semaphore_mem>>
          %dma_wait3A_275 = tpu.memref_squeeze %dma_wait3A_274 : memref<1x!tpu.dma_semaphore, #tpu.memory_space<semaphore_mem>> -> memref<!tpu.dma_semaphore, #tpu.memory_space<semaphore_mem>>
          %dma_wait3A_276 = arith.constant 0 : i32
          %dma_wait3A_277 = arith.constant 0 : i32
          %dma_wait3A_278 = tpu.memref_slice %run_scoped3A[%rem3A_267, %dma_wait3A_276, %dma_wait3A_277] : memref<2x1x128xi32, #tpu.memory_space<vmem>> -> memref<1x1x128xi32, #tpu.memory_space<vmem>>
          %dma_wait3A_279 = tpu.memref_squeeze %dma_wait3A_278 : memref<1x1x128xi32, #tpu.memory_space<vmem>> -> memref<1x128xi32, #tpu.memory_space<vmem>>
          %dma_wait3A_280 = arith.constant 0 : i32
          %dma_wait3A_281 = tpu.memref_slice %arg3[%dma_wait3A_280, %mul3A_265] : memref<1x57344xi32, #tpu.memory_space<hbm>> -> memref<1x128xi32, #tpu.memory_space<hbm>>
          tpu.wait_dma2 semaphore(%dma_wait3A_275 : memref<!tpu.dma_semaphore, #tpu.memory_space<semaphore_mem>>) src(%dma_wait3A_281 : memref<1x128xi32, #tpu.memory_space<hbm>>) dst(%dma_wait3A_279 : memref<1x128xi32, #tpu.memory_space<vmem>>)
          "tpu.trace_stop"() : () -> ()
        } else {
        }
        %ne3A_185 = arith.cmpi ne, %add3A_131, %add3A_140 : i32
        %or3A_186 = arith.constant false
        %or3A_187 = arith.ori %or3A_186, %ne3A_185 : i1
        %or3A_188 = arith.constant false
        %or3A_189 = arith.ori %or3A_187, %or3A_188 : i1
        %or3A_190 = arith.ori %or3A_189, %eq3A_128 : i1
        %convert_element_type3A_191 = arith.extui %or3A_190 : i1 to i32
        %cond3A_192 = arith.constant 0 : i32
        %cond3A_193 = arith.cmpi ne, %convert_element_type3A_191, %cond3A_192 : i32
        scf.if %cond3A_193 {
        } else {
        }
        %rem3A_194 = arith.constant 2 : i32
        %rem3A_195 = arith.remui %scan3A_123, %rem3A_194 : i32
        %rem3A_196 = arith.constant 2 : i32
        %rem3A_197 = arith.remui %scan3A_124, %rem3A_196 : i32
        %run_scoped3A_198 = arith.constant 0 : i32
        "tpu.trace_start"() <{level = 10 : i32, message = "ep_run_kernel"}> : () -> ()
        "tpu.region"() ({
          %run_scoped3A_264 = tpu.sem_alloc : memref<!tpu.dma_semaphore, #tpu.memory_space<semaphore_mem>>
          %dma_start3A_265 = arith.constant 0 : i32
          %dma_start3A_266 = arith.constant 0 : i32
          %dma_start3A_267 = tpu.memref_slice %run_scoped3A_8[%rem3A_197, %dma_start3A_265, %dma_start3A_266] : memref<2x128x128xf32, #tpu.memory_space<vmem>> -> memref<1x128x128xf32, #tpu.memory_space<vmem>>
          %dma_start3A_268 = tpu.memref_squeeze %dma_start3A_267 : memref<1x128x128xf32, #tpu.memory_space<vmem>> -> memref<128x128xf32, #tpu.memory_space<vmem>>
          %dma_start3A_269 = arith.constant 0 : i32
          %dma_start3A_270 = arith.constant 0 : i32
          %dma_start3A_271 = tpu.memref_slice %run_scoped3A[%rem3A_195, %dma_start3A_269, %dma_start3A_270] : memref<2x1x128xi32, #tpu.memory_space<vmem>> -> memref<1x1x128xi32, #tpu.memory_space<vmem>>
          %dma_start3A_272 = tpu.memref_squeeze %dma_start3A_271 : memref<1x1x128xi32, #tpu.memory_space<vmem>> -> memref<1x128xi32, #tpu.memory_space<vmem>>
          %dma_start3A_273 = arith.constant 0 : i32
          %dma_start3A_274 = tpu.memref_slice %dma_start3A_272[%run_scoped3A_198, %dma_start3A_273] : memref<1x128xi32, #tpu.memory_space<vmem>> -> memref<1x128xi32, #tpu.memory_space<vmem>>
          %dma_start3A_275 = tpu.memref_squeeze %dma_start3A_274 : memref<1x128xi32, #tpu.memory_space<vmem>> -> memref<128xi32, #tpu.memory_space<vmem>>
          %dma_start3A_276 = arith.constant 0 : i32
          %dma_start3A_277 = arith.constant 0 : i32
          %dma_start3A_278 = tpu.memref_slice %arg2[%dma_start3A_276, %dma_start3A_277] : memref<6272x128xf32, #tpu.memory_space<hbm>> -> memref<6272x128xf32, #tpu.memory_space<hbm>>
          tpu.enqueue_indirect_dma source(%dma_start3A_278 : memref<6272x128xf32, #tpu.memory_space<hbm>>) target(%dma_start3A_268 : memref<128x128xf32, #tpu.memory_space<vmem>>) offsets(%dma_start3A_275 : memref<128xi32, #tpu.memory_space<vmem>>) semaphore(%run_scoped3A_264 : memref<!tpu.dma_semaphore, #tpu.memory_space<semaphore_mem>>)
          %dma_wait3A_279 = arith.constant 0 : i32
          %dma_wait3A_280 = arith.constant 0 : i32
          %dma_wait3A_281 = tpu.memref_slice %run_scoped3A_8[%rem3A_197, %dma_wait3A_279, %dma_wait3A_280] : memref<2x128x128xf32, #tpu.memory_space<vmem>> -> memref<1x128x128xf32, #tpu.memory_space<vmem>>
          %dma_wait3A_282 = tpu.memref_squeeze %dma_wait3A_281 : memref<1x128x128xf32, #tpu.memory_space<vmem>> -> memref<128x128xf32, #tpu.memory_space<vmem>>
          %dma_wait3A_283 = arith.constant 0 : i32
          %dma_wait3A_284 = arith.constant 0 : i32
          %dma_wait3A_285 = tpu.memref_slice %run_scoped3A[%rem3A_195, %dma_wait3A_283, %dma_wait3A_284] : memref<2x1x128xi32, #tpu.memory_space<vmem>> -> memref<1x1x128xi32, #tpu.memory_space<vmem>>
          %dma_wait3A_286 = tpu.memref_squeeze %dma_wait3A_285 : memref<1x1x128xi32, #tpu.memory_space<vmem>> -> memref<1x128xi32, #tpu.memory_space<vmem>>
          %dma_wait3A_287 = arith.constant 0 : i32
          %dma_wait3A_288 = tpu.memref_slice %dma_wait3A_286[%run_scoped3A_198, %dma_wait3A_287] : memref<1x128xi32, #tpu.memory_space<vmem>> -> memref<1x128xi32, #tpu.memory_space<vmem>>
          %dma_wait3A_289 = tpu.memref_squeeze %dma_wait3A_288 : memref<1x128xi32, #tpu.memory_space<vmem>> -> memref<128xi32, #tpu.memory_space<vmem>>
          %dma_wait3A_290 = arith.constant 0 : i32
          %dma_wait3A_291 = arith.constant 0 : i32
          %dma_wait3A_292 = tpu.memref_slice %arg2[%dma_wait3A_290, %dma_wait3A_291] : memref<6272x128xf32, #tpu.memory_space<hbm>> -> memref<6272x128xf32, #tpu.memory_space<hbm>>
          tpu.wait_indirect_dma semaphore(%run_scoped3A_264 : memref<!tpu.dma_semaphore, #tpu.memory_space<semaphore_mem>>) src(%dma_wait3A_292 : memref<6272x128xf32, #tpu.memory_space<hbm>>) dst(%dma_wait3A_282 : memref<128x128xf32, #tpu.memory_space<vmem>>)
          tpu.yield
        }) : () -> ()
        "tpu.trace_stop"() : () -> ()
        %ne3A_199 = arith.cmpi ne, %add3A_131, %add3A_149 : i32
        %or3A_200 = arith.constant false
        %or3A_201 = arith.ori %or3A_200, %ne3A_199 : i1
        %or3A_202 = arith.ori %or3A_201, %eq3A_130 : i1
        %convert_element_type3A_203 = arith.extui %or3A_202 : i1 to i32
        %cond3A_204 = arith.constant 0 : i32
        %cond3A_205 = arith.cmpi ne, %convert_element_type3A_203, %cond3A_204 : i32
        scf.if %cond3A_205 {
        } else {
        }
        %and3A_206 = arith.constant false
        %and3A_207 = arith.andi %or3A_202, %and3A_206 : i1
        %ne3A_208 = arith.cmpi ne, %add3A_131, %add3A_149 : i32
        %or3A_209 = arith.constant false
        %or3A_210 = arith.ori %or3A_209, %ne3A_208 : i1
        %or3A_211 = arith.constant false
        %or3A_212 = arith.ori %or3A_210, %or3A_211 : i1
        %or3A_213 = arith.ori %or3A_212, %eq3A_130 : i1
        %convert_element_type3A_214 = arith.extui %or3A_213 : i1 to i32
        %cond3A_215 = arith.constant 0 : i32
        %cond3A_216 = arith.cmpi ne, %convert_element_type3A_214, %cond3A_215 : i32
        scf.if %cond3A_216 {
          "tpu.trace_start"() <{level = 10 : i32, message = "ep_copy_out"}> : () -> ()
          %rem3A_264 = arith.constant 2 : i32
          %rem3A_265 = arith.remui %scan3A_124, %rem3A_264 : i32
          %mul3A_266 = arith.constant 128 : i32
          %mul3A_267 = arith.muli %mul3A_266, %add3A_131 : i32
          %dma_start3A_268 = arith.constant 0 : i32
          %dma_start3A_269 = arith.constant 0 : i32
          %dma_start3A_270 = tpu.memref_slice %run_scoped3A_8[%rem3A_265, %dma_start3A_268, %dma_start3A_269] : memref<2x128x128xf32, #tpu.memory_space<vmem>> -> memref<1x128x128xf32, #tpu.memory_space<vmem>>
          %dma_start3A_271 = tpu.memref_squeeze %dma_start3A_270 : memref<1x128x128xf32, #tpu.memory_space<vmem>> -> memref<128x128xf32, #tpu.memory_space<vmem>>
          %dma_start3A_272 = arith.constant 0 : i32
          %dma_start3A_273 = tpu.memref_slice %arg4[%mul3A_267, %dma_start3A_272] : memref<57344x128xf32, #tpu.memory_space<hbm>> -> memref<128x128xf32, #tpu.memory_space<hbm>>
          %dma_start3A_274 = tpu.memref_slice %run_scoped3A_9[%rem3A_265] : memref<2x!tpu.dma_semaphore, #tpu.memory_space<semaphore_mem>> -> memref<1x!tpu.dma_semaphore, #tpu.memory_space<semaphore_mem>>
          %dma_start3A_275 = tpu.memref_squeeze %dma_start3A_274 : memref<1x!tpu.dma_semaphore, #tpu.memory_space<semaphore_mem>> -> memref<!tpu.dma_semaphore, #tpu.memory_space<semaphore_mem>>
          %dma_start3A_276 = arith.constant 0 : i32
          %dma_start3A_277 = tpu.memref_slice %arg4[%mul3A_267, %dma_start3A_276] : memref<57344x128xf32, #tpu.memory_space<hbm>> -> memref<128x128xf32, #tpu.memory_space<hbm>>
          %dma_start3A_278 = arith.constant 0 : i32
          %dma_start3A_279 = arith.constant 0 : i32
          %dma_start3A_280 = tpu.memref_slice %run_scoped3A_8[%rem3A_265, %dma_start3A_278, %dma_start3A_279] : memref<2x128x128xf32, #tpu.memory_space<vmem>> -> memref<1x128x128xf32, #tpu.memory_space<vmem>>
          %dma_start3A_281 = tpu.memref_squeeze %dma_start3A_280 : memref<1x128x128xf32, #tpu.memory_space<vmem>> -> memref<128x128xf32, #tpu.memory_space<vmem>>
          tpu.enqueue_dma source(%dma_start3A_281 : memref<128x128xf32, #tpu.memory_space<vmem>>) target(%dma_start3A_277 : memref<128x128xf32, #tpu.memory_space<hbm>>) target_semaphore(%dma_start3A_275 : memref<!tpu.dma_semaphore, #tpu.memory_space<semaphore_mem>>)
          "tpu.trace_stop"() : () -> ()
        } else {
        }
        %and3A_217 = arith.constant true
        %and3A_218 = arith.andi %or3A_213, %and3A_217 : i1
        %add3A_219 = arith.constant 1 : i32
        %add3A_220 = arith.addi %scan3A_124, %add3A_219 : i32
        %select_n3A_221 = arith.select %and3A_218, %add3A_220, %scan3A_124 : i32
        %ne3A_222 = arith.cmpi ne, %add3A_131, %add3A_140 : i32
        %or3A_223 = arith.constant false
        %or3A_224 = arith.ori %or3A_223, %ne3A_222 : i1
        %not3A_225 = arith.constant true
        %not3A_226 = arith.xori %eq3A_128, %not3A_225 : i1
        %and3A_227 = arith.andi %or3A_224, %not3A_226 : i1
        %convert_element_type3A_228 = arith.extui %and3A_227 : i1 to i32
        %cond3A_229 = arith.constant 0 : i32
        %cond3A_230 = arith.cmpi ne, %convert_element_type3A_228, %cond3A_229 : i32
        scf.if %cond3A_230 {
        } else {
        }
        %and3A_231 = arith.constant false
        %and3A_232 = arith.andi %and3A_227, %and3A_231 : i1
        %ne3A_233 = arith.cmpi ne, %add3A_131, %add3A_140 : i32
        %or3A_234 = arith.constant false
        %or3A_235 = arith.ori %or3A_234, %ne3A_233 : i1
        %or3A_236 = arith.constant false
        %or3A_237 = arith.ori %or3A_235, %or3A_236 : i1
        %not3A_238 = arith.constant true
        %not3A_239 = arith.xori %eq3A_128, %not3A_238 : i1
        %and3A_240 = arith.andi %or3A_237, %not3A_239 : i1
        %convert_element_type3A_241 = arith.extui %and3A_240 : i1 to i32
        %cond3A_242 = arith.constant 0 : i32
        %cond3A_243 = arith.cmpi ne, %convert_element_type3A_241, %cond3A_242 : i32
        scf.if %cond3A_243 {
          "tpu.trace_start"() <{level = 10 : i32, message = "ep_wait_out"}> : () -> ()
          %rem3A_264 = arith.constant 2 : i32
          %rem3A_265 = arith.remui %scan3A_125, %rem3A_264 : i32
          %mul3A_266 = arith.constant 128 : i32
          %mul3A_267 = arith.muli %mul3A_266, %add3A_140 : i32
          %dma_wait3A_268 = arith.constant 0 : i32
          %dma_wait3A_269 = arith.constant 0 : i32
          %dma_wait3A_270 = tpu.memref_slice %run_scoped3A_8[%rem3A_265, %dma_wait3A_268, %dma_wait3A_269] : memref<2x128x128xf32, #tpu.memory_space<vmem>> -> memref<1x128x128xf32, #tpu.memory_space<vmem>>
          %dma_wait3A_271 = tpu.memref_squeeze %dma_wait3A_270 : memref<1x128x128xf32, #tpu.memory_space<vmem>> -> memref<128x128xf32, #tpu.memory_space<vmem>>
          %dma_wait3A_272 = arith.constant 0 : i32
          %dma_wait3A_273 = tpu.memref_slice %arg4[%mul3A_267, %dma_wait3A_272] : memref<57344x128xf32, #tpu.memory_space<hbm>> -> memref<128x128xf32, #tpu.memory_space<hbm>>
          %dma_wait3A_274 = tpu.memref_slice %run_scoped3A_9[%rem3A_265] : memref<2x!tpu.dma_semaphore, #tpu.memory_space<semaphore_mem>> -> memref<1x!tpu.dma_semaphore, #tpu.memory_space<semaphore_mem>>
          %dma_wait3A_275 = tpu.memref_squeeze %dma_wait3A_274 : memref<1x!tpu.dma_semaphore, #tpu.memory_space<semaphore_mem>> -> memref<!tpu.dma_semaphore, #tpu.memory_space<semaphore_mem>>
          %dma_wait3A_276 = arith.constant 0 : i32
          %dma_wait3A_277 = tpu.memref_slice %arg4[%mul3A_267, %dma_wait3A_276] : memref<57344x128xf32, #tpu.memory_space<hbm>> -> memref<128x128xf32, #tpu.memory_space<hbm>>
          %dma_wait3A_278 = arith.constant 0 : i32
          %dma_wait3A_279 = arith.constant 0 : i32
          %dma_wait3A_280 = tpu.memref_slice %run_scoped3A_8[%rem3A_265, %dma_wait3A_278, %dma_wait3A_279] : memref<2x128x128xf32, #tpu.memory_space<vmem>> -> memref<1x128x128xf32, #tpu.memory_space<vmem>>
          %dma_wait3A_281 = tpu.memref_squeeze %dma_wait3A_280 : memref<1x128x128xf32, #tpu.memory_space<vmem>> -> memref<128x128xf32, #tpu.memory_space<vmem>>
          tpu.wait_dma2 semaphore(%dma_wait3A_275 : memref<!tpu.dma_semaphore, #tpu.memory_space<semaphore_mem>>) src(%dma_wait3A_281 : memref<128x128xf32, #tpu.memory_space<vmem>>) dst(%dma_wait3A_277 : memref<128x128xf32, #tpu.memory_space<hbm>>)
          "tpu.trace_stop"() : () -> ()
        } else {
        }
        %and3A_244 = arith.constant true
        %and3A_245 = arith.andi %and3A_240, %and3A_244 : i1
        %add3A_246 = arith.constant 1 : i32
        %add3A_247 = arith.addi %scan3A_125, %add3A_246 : i32
        %select_n3A_248 = arith.select %and3A_245, %add3A_247, %scan3A_125 : i32
        %ne3A_249 = arith.cmpi ne, %add3A_131, %add3A_149 : i32
        %or3A_250 = arith.constant false
        %or3A_251 = arith.ori %or3A_250, %ne3A_249 : i1
        %or3A_252 = arith.ori %or3A_251, %eq3A_130 : i1
        %add3A_253 = arith.constant 1 : i32
        %add3A_254 = arith.addi %scan3A_123, %add3A_253 : i32
        %select_n3A_255 = arith.select %or3A_252, %add3A_254, %scan3A_123 : i32
        %add3A_256 = arith.constant 1 : i32
        %add3A_257 = arith.addi %scan3A_126, %add3A_256 : i32
        %select_n3A_258 = arith.constant true
        %select_n3A_259 = arith.select %select_n3A_258, %add3A_257, %scan3A_126 : i32
        %eq3A_260 = arith.constant 14 : i32
        %eq3A_261 = arith.cmpi eq, %select_n3A_259, %eq3A_260 : i32
        %select_n3A_262 = arith.constant 0 : i32
        %select_n3A_263 = arith.select %eq3A_261, %select_n3A_262, %select_n3A_259 : i32
        scf.yield %select_n3A_167, %select_n3A_255, %select_n3A_221, %select_n3A_248, %select_n3A_263 : i32, i32, i32, i32, i32
      }
      %scan3A_68 = arith.constant 14 : i32
      %sub3A = arith.constant 1 : i32
      %sub3A_69 = arith.subi %scan3A_67#4, %sub3A : i32
      %select_n3A_70 = arith.constant true
      %select_n3A_71 = arith.select %select_n3A_70, %sub3A_69, %scan3A_67#4 : i32
      %eq3A_72 = arith.constant -1 : i32
      %eq3A_73 = arith.cmpi eq, %select_n3A_71, %eq3A_72 : i32
      %select_n3A_74 = arith.constant 13 : i32
      %select_n3A_75 = arith.select %eq3A_73, %select_n3A_74, %select_n3A_71 : i32
      %add3A_76 = arith.addi %select_n3A_75, %mul3A_6 : i32
      %sub3A_77 = arith.constant 1 : i32
      %sub3A_78 = arith.subi %select_n3A_75, %sub3A_77 : i32
      %select_n3A_79 = arith.constant true
      %select_n3A_80 = arith.select %select_n3A_79, %sub3A_78, %select_n3A_75 : i32
      %eq3A_81 = arith.constant -1 : i32
      %eq3A_82 = arith.cmpi eq, %select_n3A_80, %eq3A_81 : i32
      %select_n3A_83 = arith.constant 13 : i32
      %select_n3A_84 = arith.select %eq3A_82, %select_n3A_83, %select_n3A_80 : i32
      %add3A_85 = arith.addi %select_n3A_84, %mul3A_6 : i32
      %add3A_86 = arith.constant 1 : i32
      %add3A_87 = arith.addi %select_n3A_75, %add3A_86 : i32
      %select_n3A_88 = arith.constant true
      %select_n3A_89 = arith.select %select_n3A_88, %add3A_87, %select_n3A_75 : i32
      %eq3A_90 = arith.constant 14 : i32
      %eq3A_91 = arith.cmpi eq, %select_n3A_89, %eq3A_90 : i32
      %select_n3A_92 = arith.constant 0 : i32
      %select_n3A_93 = arith.select %eq3A_91, %select_n3A_92, %select_n3A_89 : i32
      %add3A_94 = arith.addi %select_n3A_93, %mul3A_6 : i32
      %add3A_95 = arith.constant 1 : i32
      %add3A_96 = arith.addi %select_n3A_93, %add3A_95 : i32
      %select_n3A_97 = arith.constant true
      %select_n3A_98 = arith.select %select_n3A_97, %add3A_96, %select_n3A_93 : i32
      %eq3A_99 = arith.constant 14 : i32
      %eq3A_100 = arith.cmpi eq, %select_n3A_98, %eq3A_99 : i32
      %select_n3A_101 = arith.constant 0 : i32
      %select_n3A_102 = arith.select %eq3A_100, %select_n3A_101, %select_n3A_98 : i32
      %add3A_103 = arith.addi %select_n3A_102, %mul3A_6 : i32
      "tpu.trace_start"() <{level = 10 : i32, message = "ep_finalize"}> : () -> ()
      %rem3A_104 = arith.constant 2 : i32
      %rem3A_105 = arith.remui %scan3A_67#3, %rem3A_104 : i32
      %mul3A_106 = arith.constant 128 : i32
      %mul3A_107 = arith.muli %mul3A_106, %add3A_76 : i32
      %dma_wait3A = arith.constant 0 : i32
      %dma_wait3A_108 = arith.constant 0 : i32
      %dma_wait3A_109 = tpu.memref_slice %run_scoped3A_8[%rem3A_105, %dma_wait3A, %dma_wait3A_108] : memref<2x128x128xf32, #tpu.memory_space<vmem>> -> memref<1x128x128xf32, #tpu.memory_space<vmem>>
      %dma_wait3A_110 = tpu.memref_squeeze %dma_wait3A_109 : memref<1x128x128xf32, #tpu.memory_space<vmem>> -> memref<128x128xf32, #tpu.memory_space<vmem>>
      %dma_wait3A_111 = arith.constant 0 : i32
      %dma_wait3A_112 = tpu.memref_slice %arg4[%mul3A_107, %dma_wait3A_111] : memref<57344x128xf32, #tpu.memory_space<hbm>> -> memref<128x128xf32, #tpu.memory_space<hbm>>
      %dma_wait3A_113 = tpu.memref_slice %run_scoped3A_9[%rem3A_105] : memref<2x!tpu.dma_semaphore, #tpu.memory_space<semaphore_mem>> -> memref<1x!tpu.dma_semaphore, #tpu.memory_space<semaphore_mem>>
      %dma_wait3A_114 = tpu.memref_squeeze %dma_wait3A_113 : memref<1x!tpu.dma_semaphore, #tpu.memory_space<semaphore_mem>> -> memref<!tpu.dma_semaphore, #tpu.memory_space<semaphore_mem>>
      %dma_wait3A_115 = arith.constant 0 : i32
      %dma_wait3A_116 = tpu.memref_slice %arg4[%mul3A_107, %dma_wait3A_115] : memref<57344x128xf32, #tpu.memory_space<hbm>> -> memref<128x128xf32, #tpu.memory_space<hbm>>
      %dma_wait3A_117 = arith.constant 0 : i32
      %dma_wait3A_118 = arith.constant 0 : i32
      %dma_wait3A_119 = tpu.memref_slice %run_scoped3A_8[%rem3A_105, %dma_wait3A_117, %dma_wait3A_118] : memref<2x128x128xf32, #tpu.memory_space<vmem>> -> memref<1x128x128xf32, #tpu.memory_space<vmem>>
      %dma_wait3A_120 = tpu.memref_squeeze %dma_wait3A_119 : memref<1x128x128xf32, #tpu.memory_space<vmem>> -> memref<128x128xf32, #tpu.memory_space<vmem>>
      tpu.wait_dma2 semaphore(%dma_wait3A_114 : memref<!tpu.dma_semaphore, #tpu.memory_space<semaphore_mem>>) src(%dma_wait3A_120 : memref<128x128xf32, #tpu.memory_space<vmem>>) dst(%dma_wait3A_116 : memref<128x128xf32, #tpu.memory_space<hbm>>)
      "tpu.trace_stop"() : () -> ()
      tpu.yield
    }) : () -> ()
    return
  }
}

module attributes {stable_mosaic.version = 14 : i64} {
  func.func @_prep_body(%arg0: memref<6272x96xf32, #tpu.memory_space<vmem>>, %arg1: memref<96x96xf32, #tpu.memory_space<vmem>>, %arg2: memref<1x96xf32, #tpu.memory_space<vmem>>, %arg3: memref<1x96xf32, #tpu.memory_space<vmem>>, %arg4: memref<1x96xf32, #tpu.memory_space<vmem>>, %arg5: memref<6272x96xf32, #tpu.memory_space<vmem>>, %arg6: memref<6272x128xf32, #tpu.memory_space<vmem>>, %arg7: memref<2x3136x96xf32, #tpu.memory_space<vmem>>, %arg8: memref<2x96x3136xf32, #tpu.memory_space<vmem>>, %arg9: memref<2x3136x1xf32, #tpu.memory_space<vmem>>, %arg10: memref<2x1x3136xf32, #tpu.memory_space<vmem>>) attributes {dimension_semantics = [], scalar_prefetch = 0 : i64, scratch_operands = 0 : i64, tpu.core_type = #tpu.core_type<tc>} {
    %get3A = arith.constant 0 : index
    %get3A_0 = arith.constant 0 : index
    %get3A_1 = vector.load %arg0[%get3A, %get3A_0] : memref<6272x96xf32, #tpu.memory_space<vmem>>, vector<6272x96xf32>
    %get3A_2 = arith.constant 0 : index
    %get3A_3 = arith.constant 0 : index
    %get3A_4 = vector.load %arg1[%get3A_2, %get3A_3] : memref<96x96xf32, #tpu.memory_space<vmem>>, vector<96x96xf32>
    %convert_element_type3A = arith.truncf %get3A_1 : vector<6272x96xf32> to vector<6272x96xbf16>
    %convert_element_type3A_5 = arith.truncf %get3A_4 : vector<96x96xf32> to vector<96x96xbf16>
    %dot_general3A = arith.constant dense<0.000000e+00> : vector<6272x96xf32>
    %dot_general3A_6 = tpu.matmul %convert_element_type3A, %convert_element_type3A_5, %dot_general3A {dimension_numbers = #tpu.dot_dimension_numbers<[1], [0], [0], [1], [0, 0, 1, 1], [], []>, transpose_lhs_hint = false} : vector<6272x96xbf16>, vector<96x96xbf16>, vector<6272x96xf32> -> vector<6272x96xf32>
    %get3A_7 = arith.constant 0 : index
    %get3A_8 = arith.constant 0 : index
    %get3A_9 = vector.load %arg2[%get3A_7, %get3A_8] : memref<1x96xf32, #tpu.memory_space<vmem>>, vector<1x96xf32>
    %add3A = vector.broadcast %get3A_9 : vector<1x96xf32> to vector<6272x96xf32>
    %add3A_10 = arith.addf %dot_general3A_6, %add3A : vector<6272x96xf32>
    %get3A_11 = arith.constant 0 : index
    %get3A_12 = arith.constant 0 : index
    %get3A_13 = vector.load %arg3[%get3A_11, %get3A_12] : memref<1x96xf32, #tpu.memory_space<vmem>>, vector<1x96xf32>
    %get3A_14 = arith.constant 0 : index
    %get3A_15 = arith.constant 0 : index
    %get3A_16 = vector.load %arg4[%get3A_14, %get3A_15] : memref<1x96xf32, #tpu.memory_space<vmem>>, vector<1x96xf32>
    %reduce_sum3A = arith.constant dense<0.000000e+00> : vector<96xf32>
    %reduce_sum3A_17 = vector.multi_reduction <add>, %add3A_10, %reduce_sum3A [0] : vector<6272x96xf32> to vector<96xf32>
    %broadcast_in_dim3A = vector.shape_cast %reduce_sum3A_17 : vector<96xf32> to vector<1x96xf32>
    %div3A = arith.constant 6.272000e+03 : f32
    %div3A_18 = vector.broadcast %div3A : f32 to vector<1x96xf32>
    %div3A_19 = arith.divf %broadcast_in_dim3A, %div3A_18 : vector<1x96xf32>
    %sub3A = vector.broadcast %div3A_19 : vector<1x96xf32> to vector<6272x96xf32>
    %sub3A_20 = arith.subf %add3A_10, %sub3A : vector<6272x96xf32>
    %integer_pow3A = arith.mulf %sub3A_20, %sub3A_20 : vector<6272x96xf32>
    %reduce_sum3A_21 = arith.constant dense<0.000000e+00> : vector<96xf32>
    %reduce_sum3A_22 = vector.multi_reduction <add>, %integer_pow3A, %reduce_sum3A_21 [0] : vector<6272x96xf32> to vector<96xf32>
    %broadcast_in_dim3A_23 = vector.shape_cast %reduce_sum3A_22 : vector<96xf32> to vector<1x96xf32>
    %div3A_24 = arith.constant 6.272000e+03 : f32
    %div3A_25 = vector.broadcast %div3A_24 : f32 to vector<1x96xf32>
    %div3A_26 = arith.divf %broadcast_in_dim3A_23, %div3A_25 : vector<1x96xf32>
    %sub3A_27 = vector.broadcast %div3A_19 : vector<1x96xf32> to vector<6272x96xf32>
    %sub3A_28 = arith.subf %add3A_10, %sub3A_27 : vector<6272x96xf32>
    %add3A_29 = arith.constant 9.99999974E-6 : f32
    %add3A_30 = vector.broadcast %add3A_29 : f32 to vector<1x96xf32>
    %add3A_31 = arith.addf %div3A_26, %add3A_30 : vector<1x96xf32>
    %sqrt3A = math.sqrt %add3A_31 : vector<1x96xf32>
    %div3A_32 = vector.broadcast %sqrt3A : vector<1x96xf32> to vector<6272x96xf32>
    %div3A_33 = arith.divf %sub3A_28, %div3A_32 : vector<6272x96xf32>
    %mul3A = vector.broadcast %get3A_13 : vector<1x96xf32> to vector<6272x96xf32>
    %mul3A_34 = arith.mulf %div3A_33, %mul3A : vector<6272x96xf32>
    %add3A_35 = vector.broadcast %get3A_16 : vector<1x96xf32> to vector<6272x96xf32>
    %add3A_36 = arith.addf %mul3A_34, %add3A_35 : vector<6272x96xf32>
    %swap3A = arith.constant 0 : index
    %swap3A_37 = arith.constant 0 : index
    %swap3A_38 = vector.load %arg5[%swap3A, %swap3A_37] : memref<6272x96xf32, #tpu.memory_space<vmem>>, vector<6272x96xf32>
    tpu.vector_store %arg5[%swap3A, %swap3A_37], %add3A_36 {strides = array<i32>} : memref<6272x96xf32, #tpu.memory_space<vmem>>, vector<6272x96xf32>,
    %broadcast_in_dim3A_39 = arith.constant 0.000000e+00 : f32
    %broadcast_in_dim3A_40 = vector.broadcast %broadcast_in_dim3A_39 : f32 to vector<6272x32xf32>
    %concatenate3A = tpu.concatenate %add3A_36, %broadcast_in_dim3A_40 in 1 : vector<6272x96xf32>, vector<6272x32xf32> -> vector<6272x128xf32>
    %swap3A_41 = arith.constant 0 : index
    %swap3A_42 = arith.constant 0 : index
    %swap3A_43 = vector.load %arg6[%swap3A_41, %swap3A_42] : memref<6272x128xf32, #tpu.memory_space<vmem>>, vector<6272x128xf32>
    tpu.vector_store %arg6[%swap3A_41, %swap3A_42], %concatenate3A {strides = array<i32>} : memref<6272x128xf32, #tpu.memory_space<vmem>>, vector<6272x128xf32>,
    %mul3A_44 = arith.mulf %add3A_36, %add3A_36 : vector<6272x96xf32>
    %reduce_sum3A_45 = arith.constant dense<0.000000e+00> : vector<6272xf32>
    %reduce_sum3A_46 = vector.multi_reduction <add>, %mul3A_44, %reduce_sum3A_45 [1] : vector<6272x96xf32> to vector<6272xf32>
    %broadcast_in_dim3A_47 = vector.shape_cast %reduce_sum3A_46 : vector<6272xf32> to vector<6272x1xf32>
    %sqrt3A_48 = math.sqrt %broadcast_in_dim3A_47 : vector<6272x1xf32>
    %max3A = arith.constant 9.99999996E-13 : f32
    %max3A_49 = vector.broadcast %max3A : f32 to vector<6272x1xf32>
    %max3A_50 = arith.maximumf %sqrt3A_48, %max3A_49 : vector<6272x1xf32>
    %div3A_51 = vector.broadcast %max3A_50 : vector<6272x1xf32> to vector<6272x96xf32>
    %div3A_52 = arith.divf %add3A_36, %div3A_51 : vector<6272x96xf32>
    %reshape3A = vector.shape_cast %div3A_52 : vector<6272x96xf32> to vector<2x3136x96xf32>
    %swap3A_53 = arith.constant 0 : index
    %swap3A_54 = arith.constant 0 : index
    %swap3A_55 = arith.constant 0 : index
    %swap3A_56 = vector.load %arg7[%swap3A_53, %swap3A_54, %swap3A_55] : memref<2x3136x96xf32, #tpu.memory_space<vmem>>, vector<2x3136x96xf32>
    tpu.vector_store %arg7[%swap3A_53, %swap3A_54, %swap3A_55], %reshape3A {strides = array<i32>} : memref<2x3136x96xf32, #tpu.memory_space<vmem>>, vector<2x3136x96xf32>,
    %transpose3A = tpu.transpose %reshape3A, [0, 2, 1] : vector<2x3136x96xf32> -> vector<2x96x3136xf32>
    %swap3A_57 = arith.constant 0 : index
    %swap3A_58 = arith.constant 0 : index
    %swap3A_59 = arith.constant 0 : index
    %swap3A_60 = vector.load %arg8[%swap3A_57, %swap3A_58, %swap3A_59] : memref<2x96x3136xf32, #tpu.memory_space<vmem>>, vector<2x96x3136xf32>
    tpu.vector_store %arg8[%swap3A_57, %swap3A_58, %swap3A_59], %transpose3A {strides = array<i32>} : memref<2x96x3136xf32, #tpu.memory_space<vmem>>, vector<2x96x3136xf32>,
    %mul3A_61 = arith.mulf %reshape3A, %reshape3A : vector<2x3136x96xf32>
    %reduce_sum3A_62 = arith.constant dense<0.000000e+00> : vector<2x3136xf32>
    %reduce_sum3A_63 = vector.multi_reduction <add>, %mul3A_61, %reduce_sum3A_62 [2] : vector<2x3136x96xf32> to vector<2x3136xf32>
    %broadcast_in_dim3A_64 = vector.shape_cast %reduce_sum3A_63 : vector<2x3136xf32> to vector<2x3136x1xf32>
    %swap3A_65 = arith.constant 0 : index
    %swap3A_66 = arith.constant 0 : index
    %swap3A_67 = arith.constant 0 : index
    %swap3A_68 = vector.load %arg9[%swap3A_65, %swap3A_66, %swap3A_67] : memref<2x3136x1xf32, #tpu.memory_space<vmem>>, vector<2x3136x1xf32>
    tpu.vector_store %arg9[%swap3A_65, %swap3A_66, %swap3A_67], %broadcast_in_dim3A_64 {strides = array<i32>} : memref<2x3136x1xf32, #tpu.memory_space<vmem>>, vector<2x3136x1xf32>,
    %transpose3A_69 = tpu.transpose %broadcast_in_dim3A_64, [0, 2, 1] : vector<2x3136x1xf32> -> vector<2x1x3136xf32>
    %swap3A_70 = arith.constant 0 : index
    %swap3A_71 = arith.constant 0 : index
    %swap3A_72 = arith.constant 0 : index
    %swap3A_73 = vector.load %arg10[%swap3A_70, %swap3A_71, %swap3A_72] : memref<2x1x3136xf32, #tpu.memory_space<vmem>>, vector<2x1x3136xf32>
    tpu.vector_store %arg10[%swap3A_70, %swap3A_71, %swap3A_72], %transpose3A_69 {strides = array<i32>} : memref<2x1x3136xf32, #tpu.memory_space<vmem>>, vector<2x1x3136xf32>,
    return
  }
}

module attributes {stable_mosaic.version = 14 : i64} {
  func.func @_topk_body(%arg0: i32, %arg1: i32, %arg2: memref<1x448x96xf32, #tpu.memory_space<vmem>>, %arg3: memref<1x96x3136xf32, #tpu.memory_space<vmem>>, %arg4: memref<1x448x1xf32, #tpu.memory_space<vmem>>, %arg5: memref<1x1x3136xf32, #tpu.memory_space<vmem>>, %arg6: memref<1x448x3136xf32, #tpu.memory_space<vmem>>, %arg7: memref<1x448x16xi32, #tpu.memory_space<vmem>>) attributes {dimension_semantics = [#tpu.dimension_semantics<arbitrary>, #tpu.dimension_semantics<arbitrary>], iteration_bounds = array<i64: 7, 2>, scalar_prefetch = 0 : i64, scratch_operands = 0 : i64, tpu.core_type = #tpu.core_type<tc>, window_params = [{transform_indices = @transform_0, window_bounds = array<i64: 1, 448, 96>}, {transform_indices = @transform_1, window_bounds = array<i64: 1, 96, 3136>}, {transform_indices = @transform_2, window_bounds = array<i64: 1, 448, 1>}, {transform_indices = @transform_3, window_bounds = array<i64: 1, 1, 3136>}, {transform_indices = @transform_4, window_bounds = array<i64: 1, 448, 3136>}, {transform_indices = @transform_5, window_bounds = array<i64: 1, 448, 16>}]} {
    %get3A = arith.constant 0 : index
    %get3A_0 = arith.constant 0 : index
    %get3A_1 = arith.constant 0 : index
    %get3A_2 = vector.load %arg2[%get3A, %get3A_0, %get3A_1] : memref<1x448x96xf32, #tpu.memory_space<vmem>>, vector<1x448x96xf32>
    %get3A_3 = vector.shape_cast %get3A_2 : vector<1x448x96xf32> to vector<448x96xf32>
    %get3A_4 = arith.constant 0 : index
    %get3A_5 = arith.constant 0 : index
    %get3A_6 = arith.constant 0 : index
    %get3A_7 = vector.load %arg3[%get3A_4, %get3A_5, %get3A_6] : memref<1x96x3136xf32, #tpu.memory_space<vmem>>, vector<1x96x3136xf32>
    %get3A_8 = vector.shape_cast %get3A_7 : vector<1x96x3136xf32> to vector<96x3136xf32>
    %convert_element_type3A = arith.truncf %get3A_3 : vector<448x96xf32> to vector<448x96xbf16>
    %convert_element_type3A_9 = arith.truncf %get3A_8 : vector<96x3136xf32> to vector<96x3136xbf16>
    %dot_general3A = arith.constant dense<0.000000e+00> : vector<448x3136xf32>
    %dot_general3A_10 = tpu.matmul %convert_element_type3A, %convert_element_type3A_9, %dot_general3A {dimension_numbers = #tpu.dot_dimension_numbers<[1], [0], [0], [1], [0, 0, 1, 1], [], []>, transpose_lhs_hint = false} : vector<448x96xbf16>, vector<96x3136xbf16>, vector<448x3136xf32> -> vector<448x3136xf32>
    %mul3A = arith.constant -2.000000e+00 : f32
    %mul3A_11 = vector.broadcast %mul3A : f32 to vector<448x3136xf32>
    %mul3A_12 = arith.mulf %mul3A_11, %dot_general3A_10 : vector<448x3136xf32>
    %get3A_13 = arith.constant 0 : index
    %get3A_14 = arith.constant 0 : index
    %get3A_15 = arith.constant 0 : index
    %get3A_16 = vector.load %arg4[%get3A_13, %get3A_14, %get3A_15] : memref<1x448x1xf32, #tpu.memory_space<vmem>>, vector<1x448x1xf32>
    %get3A_17 = vector.shape_cast %get3A_16 : vector<1x448x1xf32> to vector<448x1xf32>
    %add3A = vector.broadcast %get3A_17 : vector<448x1xf32> to vector<448x3136xf32>
    %add3A_18 = arith.addf %add3A, %mul3A_12 : vector<448x3136xf32>
    %get3A_19 = arith.constant 0 : index
    %get3A_20 = arith.constant 0 : index
    %get3A_21 = arith.constant 0 : index
    %get3A_22 = vector.load %arg5[%get3A_19, %get3A_20, %get3A_21] : memref<1x1x3136xf32, #tpu.memory_space<vmem>>, vector<1x1x3136xf32>
    %get3A_23 = vector.shape_cast %get3A_22 : vector<1x1x3136xf32> to vector<1x3136xf32>
    %add3A_24 = vector.broadcast %get3A_23 : vector<1x3136xf32> to vector<448x3136xf32>
    %add3A_25 = arith.addf %add3A_18, %add3A_24 : vector<448x3136xf32>
    %get3A_26 = arith.constant 0 : index
    %get3A_27 = arith.constant 0 : index
    %get3A_28 = arith.constant 0 : index
    %get3A_29 = vector.load %arg6[%get3A_26, %get3A_27, %get3A_28] : memref<1x448x3136xf32, #tpu.memory_space<vmem>>, vector<1x448x3136xf32>
    %get3A_30 = vector.shape_cast %get3A_29 : vector<1x448x3136xf32> to vector<448x3136xf32>
    %add3A_31 = arith.addf %add3A_25, %get3A_30 : vector<448x3136xf32>
    %iota3A = tpu.iota {dimensions = array<i32: 1>} : vector<448x3136xi32>
    %reduce_min3A = arith.constant dense<0x7F800000> : vector<448xf32>
    %reduce_min3A_32 = vector.multi_reduction <minimumf>, %add3A_31, %reduce_min3A [1] : vector<448x3136xf32> to vector<448xf32>
    %broadcast_in_dim3A = vector.shape_cast %reduce_min3A_32 : vector<448xf32> to vector<448x1xf32>
    %eq3A = vector.broadcast %broadcast_in_dim3A : vector<448x1xf32> to vector<448x3136xf32>
    %eq3A_33 = arith.cmpf oeq, %add3A_31, %eq3A : vector<448x3136xf32>
    %jit3A = arith.constant 3136 : i32
    %broadcast_in_dim3A_34 = vector.broadcast %jit3A : i32 to vector<448x3136xi32>
    %select_n3A = arith.select %eq3A_33, %iota3A, %broadcast_in_dim3A_34 : vector<448x3136xi1>, vector<448x3136xi32>
    %reduce_min3A_35 = arith.constant dense<2147483647> : vector<448xi32>
    %reduce_min3A_36 = vector.multi_reduction <minsi>, %select_n3A, %reduce_min3A_35 [1] : vector<448x3136xi32> to vector<448xi32>
    %broadcast_in_dim3A_37 = vector.shape_cast %reduce_min3A_36 : vector<448xi32> to vector<448x1xi32>
    %mul3A_38 = arith.constant 3136 : i32
    %mul3A_39 = arith.muli %arg1, %mul3A_38 : i32
    %add3A_40 = vector.broadcast %mul3A_39 : i32 to vector<448x1xi32>
    %add3A_41 = arith.addi %broadcast_in_dim3A_37, %add3A_40 : vector<448x1xi32>
    %swap3A = arith.constant 0 : index
    %swap3A_42 = arith.constant 0 : index
    %swap3A_43 = arith.constant 0 : index
    %swap3A_44 = vector.load %arg7[%swap3A, %swap3A_42, %swap3A_43] : memref<1x448x16xi32, #tpu.memory_space<vmem>>, vector<1x448x1xi32>
    %swap3A_45 = vector.shape_cast %swap3A_44 : vector<1x448x1xi32> to vector<448x1xi32>
    %swap3A_46 = vector.shape_cast %add3A_41 : vector<448x1xi32> to vector<1x448x1xi32>
    tpu.vector_store %arg7[%swap3A, %swap3A_42, %swap3A_43], %swap3A_46 {strides = array<i32>} : memref<1x448x16xi32, #tpu.memory_space<vmem>>, vector<1x448x1xi32>,
    %eq3A_47 = vector.broadcast %broadcast_in_dim3A_37 : vector<448x1xi32> to vector<448x3136xi32>
    %eq3A_48 = arith.cmpi eq, %iota3A, %eq3A_47 : vector<448x3136xi32>
    %jit3A_49 = arith.constant 0x7F800000 : f32
    %broadcast_in_dim3A_50 = vector.broadcast %jit3A_49 : f32 to vector<448x3136xf32>
    %select_n3A_51 = arith.select %eq3A_48, %broadcast_in_dim3A_50, %add3A_31 : vector<448x3136xi1>, vector<448x3136xf32>
    %reduce_min3A_52 = arith.constant dense<0x7F800000> : vector<448xf32>
    %reduce_min3A_53 = vector.multi_reduction <minimumf>, %select_n3A_51, %reduce_min3A_52 [1] : vector<448x3136xf32> to vector<448xf32>
    %broadcast_in_dim3A_54 = vector.shape_cast %reduce_min3A_53 : vector<448xf32> to vector<448x1xf32>
    %eq3A_55 = vector.broadcast %broadcast_in_dim3A_54 : vector<448x1xf32> to vector<448x3136xf32>
    %eq3A_56 = arith.cmpf oeq, %select_n3A_51, %eq3A_55 : vector<448x3136xf32>
    %jit3A_57 = arith.constant 3136 : i32
    %broadcast_in_dim3A_58 = vector.broadcast %jit3A_57 : i32 to vector<448x3136xi32>
    %select_n3A_59 = arith.select %eq3A_56, %iota3A, %broadcast_in_dim3A_58 : vector<448x3136xi1>, vector<448x3136xi32>
    %reduce_min3A_60 = arith.constant dense<2147483647> : vector<448xi32>
    %reduce_min3A_61 = vector.multi_reduction <minsi>, %select_n3A_59, %reduce_min3A_60 [1] : vector<448x3136xi32> to vector<448xi32>
    %broadcast_in_dim3A_62 = vector.shape_cast %reduce_min3A_61 : vector<448xi32> to vector<448x1xi32>
    %mul3A_63 = arith.constant 3136 : i32
    %mul3A_64 = arith.muli %arg1, %mul3A_63 : i32
    %add3A_65 = vector.broadcast %mul3A_64 : i32 to vector<448x1xi32>
    %add3A_66 = arith.addi %broadcast_in_dim3A_62, %add3A_65 : vector<448x1xi32>
    %swap3A_67 = arith.constant 0 : index
    %swap3A_68 = arith.constant 0 : index
    %swap3A_69 = arith.constant 1 : index
    %swap3A_70 = vector.load %arg7[%swap3A_67, %swap3A_68, %swap3A_69] : memref<1x448x16xi32, #tpu.memory_space<vmem>>, vector<1x448x1xi32>
    %swap3A_71 = vector.shape_cast %swap3A_70 : vector<1x448x1xi32> to vector<448x1xi32>
    %swap3A_72 = vector.shape_cast %add3A_66 : vector<448x1xi32> to vector<1x448x1xi32>
    tpu.vector_store %arg7[%swap3A_67, %swap3A_68, %swap3A_69], %swap3A_72 {strides = array<i32>} : memref<1x448x16xi32, #tpu.memory_space<vmem>>, vector<1x448x1xi32>,
    %eq3A_73 = vector.broadcast %broadcast_in_dim3A_62 : vector<448x1xi32> to vector<448x3136xi32>
    %eq3A_74 = arith.cmpi eq, %iota3A, %eq3A_73 : vector<448x3136xi32>
    %jit3A_75 = arith.constant 0x7F800000 : f32
    %broadcast_in_dim3A_76 = vector.broadcast %jit3A_75 : f32 to vector<448x3136xf32>
    %select_n3A_77 = arith.select %eq3A_74, %broadcast_in_dim3A_76, %select_n3A_51 : vector<448x3136xi1>, vector<448x3136xf32>
    %reduce_min3A_78 = arith.constant dense<0x7F800000> : vector<448xf32>
    %reduce_min3A_79 = vector.multi_reduction <minimumf>, %select_n3A_77, %reduce_min3A_78 [1] : vector<448x3136xf32> to vector<448xf32>
    %broadcast_in_dim3A_80 = vector.shape_cast %reduce_min3A_79 : vector<448xf32> to vector<448x1xf32>
    %eq3A_81 = vector.broadcast %broadcast_in_dim3A_80 : vector<448x1xf32> to vector<448x3136xf32>
    %eq3A_82 = arith.cmpf oeq, %select_n3A_77, %eq3A_81 : vector<448x3136xf32>
    %jit3A_83 = arith.constant 3136 : i32
    %broadcast_in_dim3A_84 = vector.broadcast %jit3A_83 : i32 to vector<448x3136xi32>
    %select_n3A_85 = arith.select %eq3A_82, %iota3A, %broadcast_in_dim3A_84 : vector<448x3136xi1>, vector<448x3136xi32>
    %reduce_min3A_86 = arith.constant dense<2147483647> : vector<448xi32>
    %reduce_min3A_87 = vector.multi_reduction <minsi>, %select_n3A_85, %reduce_min3A_86 [1] : vector<448x3136xi32> to vector<448xi32>
    %broadcast_in_dim3A_88 = vector.shape_cast %reduce_min3A_87 : vector<448xi32> to vector<448x1xi32>
    %mul3A_89 = arith.constant 3136 : i32
    %mul3A_90 = arith.muli %arg1, %mul3A_89 : i32
    %add3A_91 = vector.broadcast %mul3A_90 : i32 to vector<448x1xi32>
    %add3A_92 = arith.addi %broadcast_in_dim3A_88, %add3A_91 : vector<448x1xi32>
    %swap3A_93 = arith.constant 0 : index
    %swap3A_94 = arith.constant 0 : index
    %swap3A_95 = arith.constant 2 : index
    %swap3A_96 = vector.load %arg7[%swap3A_93, %swap3A_94, %swap3A_95] : memref<1x448x16xi32, #tpu.memory_space<vmem>>, vector<1x448x1xi32>
    %swap3A_97 = vector.shape_cast %swap3A_96 : vector<1x448x1xi32> to vector<448x1xi32>
    %swap3A_98 = vector.shape_cast %add3A_92 : vector<448x1xi32> to vector<1x448x1xi32>
    tpu.vector_store %arg7[%swap3A_93, %swap3A_94, %swap3A_95], %swap3A_98 {strides = array<i32>} : memref<1x448x16xi32, #tpu.memory_space<vmem>>, vector<1x448x1xi32>,
    %eq3A_99 = vector.broadcast %broadcast_in_dim3A_88 : vector<448x1xi32> to vector<448x3136xi32>
    %eq3A_100 = arith.cmpi eq, %iota3A, %eq3A_99 : vector<448x3136xi32>
    %jit3A_101 = arith.constant 0x7F800000 : f32
    %broadcast_in_dim3A_102 = vector.broadcast %jit3A_101 : f32 to vector<448x3136xf32>
    %select_n3A_103 = arith.select %eq3A_100, %broadcast_in_dim3A_102, %select_n3A_77 : vector<448x3136xi1>, vector<448x3136xf32>
    %reduce_min3A_104 = arith.constant dense<0x7F800000> : vector<448xf32>
    %reduce_min3A_105 = vector.multi_reduction <minimumf>, %select_n3A_103, %reduce_min3A_104 [1] : vector<448x3136xf32> to vector<448xf32>
    %broadcast_in_dim3A_106 = vector.shape_cast %reduce_min3A_105 : vector<448xf32> to vector<448x1xf32>
    %eq3A_107 = vector.broadcast %broadcast_in_dim3A_106 : vector<448x1xf32> to vector<448x3136xf32>
    %eq3A_108 = arith.cmpf oeq, %select_n3A_103, %eq3A_107 : vector<448x3136xf32>
    %jit3A_109 = arith.constant 3136 : i32
    %broadcast_in_dim3A_110 = vector.broadcast %jit3A_109 : i32 to vector<448x3136xi32>
    %select_n3A_111 = arith.select %eq3A_108, %iota3A, %broadcast_in_dim3A_110 : vector<448x3136xi1>, vector<448x3136xi32>
    %reduce_min3A_112 = arith.constant dense<2147483647> : vector<448xi32>
    %reduce_min3A_113 = vector.multi_reduction <minsi>, %select_n3A_111, %reduce_min3A_112 [1] : vector<448x3136xi32> to vector<448xi32>
    %broadcast_in_dim3A_114 = vector.shape_cast %reduce_min3A_113 : vector<448xi32> to vector<448x1xi32>
    %mul3A_115 = arith.constant 3136 : i32
    %mul3A_116 = arith.muli %arg1, %mul3A_115 : i32
    %add3A_117 = vector.broadcast %mul3A_116 : i32 to vector<448x1xi32>
    %add3A_118 = arith.addi %broadcast_in_dim3A_114, %add3A_117 : vector<448x1xi32>
    %swap3A_119 = arith.constant 0 : index
    %swap3A_120 = arith.constant 0 : index
    %swap3A_121 = arith.constant 3 : index
    %swap3A_122 = vector.load %arg7[%swap3A_119, %swap3A_120, %swap3A_121] : memref<1x448x16xi32, #tpu.memory_space<vmem>>, vector<1x448x1xi32>
    %swap3A_123 = vector.shape_cast %swap3A_122 : vector<1x448x1xi32> to vector<448x1xi32>
    %swap3A_124 = vector.shape_cast %add3A_118 : vector<448x1xi32> to vector<1x448x1xi32>
    tpu.vector_store %arg7[%swap3A_119, %swap3A_120, %swap3A_121], %swap3A_124 {strides = array<i32>} : memref<1x448x16xi32, #tpu.memory_space<vmem>>, vector<1x448x1xi32>,
    %eq3A_125 = vector.broadcast %broadcast_in_dim3A_114 : vector<448x1xi32> to vector<448x3136xi32>
    %eq3A_126 = arith.cmpi eq, %iota3A, %eq3A_125 : vector<448x3136xi32>
    %jit3A_127 = arith.constant 0x7F800000 : f32
    %broadcast_in_dim3A_128 = vector.broadcast %jit3A_127 : f32 to vector<448x3136xf32>
    %select_n3A_129 = arith.select %eq3A_126, %broadcast_in_dim3A_128, %select_n3A_103 : vector<448x3136xi1>, vector<448x3136xf32>
    %reduce_min3A_130 = arith.constant dense<0x7F800000> : vector<448xf32>
    %reduce_min3A_131 = vector.multi_reduction <minimumf>, %select_n3A_129, %reduce_min3A_130 [1] : vector<448x3136xf32> to vector<448xf32>
    %broadcast_in_dim3A_132 = vector.shape_cast %reduce_min3A_131 : vector<448xf32> to vector<448x1xf32>
    %eq3A_133 = vector.broadcast %broadcast_in_dim3A_132 : vector<448x1xf32> to vector<448x3136xf32>
    %eq3A_134 = arith.cmpf oeq, %select_n3A_129, %eq3A_133 : vector<448x3136xf32>
    %jit3A_135 = arith.constant 3136 : i32
    %broadcast_in_dim3A_136 = vector.broadcast %jit3A_135 : i32 to vector<448x3136xi32>
    %select_n3A_137 = arith.select %eq3A_134, %iota3A, %broadcast_in_dim3A_136 : vector<448x3136xi1>, vector<448x3136xi32>
    %reduce_min3A_138 = arith.constant dense<2147483647> : vector<448xi32>
    %reduce_min3A_139 = vector.multi_reduction <minsi>, %select_n3A_137, %reduce_min3A_138 [1] : vector<448x3136xi32> to vector<448xi32>
    %broadcast_in_dim3A_140 = vector.shape_cast %reduce_min3A_139 : vector<448xi32> to vector<448x1xi32>
    %mul3A_141 = arith.constant 3136 : i32
    %mul3A_142 = arith.muli %arg1, %mul3A_141 : i32
    %add3A_143 = vector.broadcast %mul3A_142 : i32 to vector<448x1xi32>
    %add3A_144 = arith.addi %broadcast_in_dim3A_140, %add3A_143 : vector<448x1xi32>
    %swap3A_145 = arith.constant 0 : index
    %swap3A_146 = arith.constant 0 : index
    %swap3A_147 = arith.constant 4 : index
    %swap3A_148 = vector.load %arg7[%swap3A_145, %swap3A_146, %swap3A_147] : memref<1x448x16xi32, #tpu.memory_space<vmem>>, vector<1x448x1xi32>
    %swap3A_149 = vector.shape_cast %swap3A_148 : vector<1x448x1xi32> to vector<448x1xi32>
    %swap3A_150 = vector.shape_cast %add3A_144 : vector<448x1xi32> to vector<1x448x1xi32>
    tpu.vector_store %arg7[%swap3A_145, %swap3A_146, %swap3A_147], %swap3A_150 {strides = array<i32>} : memref<1x448x16xi32, #tpu.memory_space<vmem>>, vector<1x448x1xi32>,
    %eq3A_151 = vector.broadcast %broadcast_in_dim3A_140 : vector<448x1xi32> to vector<448x3136xi32>
    %eq3A_152 = arith.cmpi eq, %iota3A, %eq3A_151 : vector<448x3136xi32>
    %jit3A_153 = arith.constant 0x7F800000 : f32
    %broadcast_in_dim3A_154 = vector.broadcast %jit3A_153 : f32 to vector<448x3136xf32>
    %select_n3A_155 = arith.select %eq3A_152, %broadcast_in_dim3A_154, %select_n3A_129 : vector<448x3136xi1>, vector<448x3136xf32>
    %reduce_min3A_156 = arith.constant dense<0x7F800000> : vector<448xf32>
    %reduce_min3A_157 = vector.multi_reduction <minimumf>, %select_n3A_155, %reduce_min3A_156 [1] : vector<448x3136xf32> to vector<448xf32>
    %broadcast_in_dim3A_158 = vector.shape_cast %reduce_min3A_157 : vector<448xf32> to vector<448x1xf32>
    %eq3A_159 = vector.broadcast %broadcast_in_dim3A_158 : vector<448x1xf32> to vector<448x3136xf32>
    %eq3A_160 = arith.cmpf oeq, %select_n3A_155, %eq3A_159 : vector<448x3136xf32>
    %jit3A_161 = arith.constant 3136 : i32
    %broadcast_in_dim3A_162 = vector.broadcast %jit3A_161 : i32 to vector<448x3136xi32>
    %select_n3A_163 = arith.select %eq3A_160, %iota3A, %broadcast_in_dim3A_162 : vector<448x3136xi1>, vector<448x3136xi32>
    %reduce_min3A_164 = arith.constant dense<2147483647> : vector<448xi32>
    %reduce_min3A_165 = vector.multi_reduction <minsi>, %select_n3A_163, %reduce_min3A_164 [1] : vector<448x3136xi32> to vector<448xi32>
    %broadcast_in_dim3A_166 = vector.shape_cast %reduce_min3A_165 : vector<448xi32> to vector<448x1xi32>
    %mul3A_167 = arith.constant 3136 : i32
    %mul3A_168 = arith.muli %arg1, %mul3A_167 : i32
    %add3A_169 = vector.broadcast %mul3A_168 : i32 to vector<448x1xi32>
    %add3A_170 = arith.addi %broadcast_in_dim3A_166, %add3A_169 : vector<448x1xi32>
    %swap3A_171 = arith.constant 0 : index
    %swap3A_172 = arith.constant 0 : index
    %swap3A_173 = arith.constant 5 : index
    %swap3A_174 = vector.load %arg7[%swap3A_171, %swap3A_172, %swap3A_173] : memref<1x448x16xi32, #tpu.memory_space<vmem>>, vector<1x448x1xi32>
    %swap3A_175 = vector.shape_cast %swap3A_174 : vector<1x448x1xi32> to vector<448x1xi32>
    %swap3A_176 = vector.shape_cast %add3A_170 : vector<448x1xi32> to vector<1x448x1xi32>
    tpu.vector_store %arg7[%swap3A_171, %swap3A_172, %swap3A_173], %swap3A_176 {strides = array<i32>} : memref<1x448x16xi32, #tpu.memory_space<vmem>>, vector<1x448x1xi32>,
    %eq3A_177 = vector.broadcast %broadcast_in_dim3A_166 : vector<448x1xi32> to vector<448x3136xi32>
    %eq3A_178 = arith.cmpi eq, %iota3A, %eq3A_177 : vector<448x3136xi32>
    %jit3A_179 = arith.constant 0x7F800000 : f32
    %broadcast_in_dim3A_180 = vector.broadcast %jit3A_179 : f32 to vector<448x3136xf32>
    %select_n3A_181 = arith.select %eq3A_178, %broadcast_in_dim3A_180, %select_n3A_155 : vector<448x3136xi1>, vector<448x3136xf32>
    %reduce_min3A_182 = arith.constant dense<0x7F800000> : vector<448xf32>
    %reduce_min3A_183 = vector.multi_reduction <minimumf>, %select_n3A_181, %reduce_min3A_182 [1] : vector<448x3136xf32> to vector<448xf32>
    %broadcast_in_dim3A_184 = vector.shape_cast %reduce_min3A_183 : vector<448xf32> to vector<448x1xf32>
    %eq3A_185 = vector.broadcast %broadcast_in_dim3A_184 : vector<448x1xf32> to vector<448x3136xf32>
    %eq3A_186 = arith.cmpf oeq, %select_n3A_181, %eq3A_185 : vector<448x3136xf32>
    %jit3A_187 = arith.constant 3136 : i32
    %broadcast_in_dim3A_188 = vector.broadcast %jit3A_187 : i32 to vector<448x3136xi32>
    %select_n3A_189 = arith.select %eq3A_186, %iota3A, %broadcast_in_dim3A_188 : vector<448x3136xi1>, vector<448x3136xi32>
    %reduce_min3A_190 = arith.constant dense<2147483647> : vector<448xi32>
    %reduce_min3A_191 = vector.multi_reduction <minsi>, %select_n3A_189, %reduce_min3A_190 [1] : vector<448x3136xi32> to vector<448xi32>
    %broadcast_in_dim3A_192 = vector.shape_cast %reduce_min3A_191 : vector<448xi32> to vector<448x1xi32>
    %mul3A_193 = arith.constant 3136 : i32
    %mul3A_194 = arith.muli %arg1, %mul3A_193 : i32
    %add3A_195 = vector.broadcast %mul3A_194 : i32 to vector<448x1xi32>
    %add3A_196 = arith.addi %broadcast_in_dim3A_192, %add3A_195 : vector<448x1xi32>
    %swap3A_197 = arith.constant 0 : index
    %swap3A_198 = arith.constant 0 : index
    %swap3A_199 = arith.constant 6 : index
    %swap3A_200 = vector.load %arg7[%swap3A_197, %swap3A_198, %swap3A_199] : memref<1x448x16xi32, #tpu.memory_space<vmem>>, vector<1x448x1xi32>
    %swap3A_201 = vector.shape_cast %swap3A_200 : vector<1x448x1xi32> to vector<448x1xi32>
    %swap3A_202 = vector.shape_cast %add3A_196 : vector<448x1xi32> to vector<1x448x1xi32>
    tpu.vector_store %arg7[%swap3A_197, %swap3A_198, %swap3A_199], %swap3A_202 {strides = array<i32>} : memref<1x448x16xi32, #tpu.memory_space<vmem>>, vector<1x448x1xi32>,
    %eq3A_203 = vector.broadcast %broadcast_in_dim3A_192 : vector<448x1xi32> to vector<448x3136xi32>
    %eq3A_204 = arith.cmpi eq, %iota3A, %eq3A_203 : vector<448x3136xi32>
    %jit3A_205 = arith.constant 0x7F800000 : f32
    %broadcast_in_dim3A_206 = vector.broadcast %jit3A_205 : f32 to vector<448x3136xf32>
    %select_n3A_207 = arith.select %eq3A_204, %broadcast_in_dim3A_206, %select_n3A_181 : vector<448x3136xi1>, vector<448x3136xf32>
    %reduce_min3A_208 = arith.constant dense<0x7F800000> : vector<448xf32>
    %reduce_min3A_209 = vector.multi_reduction <minimumf>, %select_n3A_207, %reduce_min3A_208 [1] : vector<448x3136xf32> to vector<448xf32>
    %broadcast_in_dim3A_210 = vector.shape_cast %reduce_min3A_209 : vector<448xf32> to vector<448x1xf32>
    %eq3A_211 = vector.broadcast %broadcast_in_dim3A_210 : vector<448x1xf32> to vector<448x3136xf32>
    %eq3A_212 = arith.cmpf oeq, %select_n3A_207, %eq3A_211 : vector<448x3136xf32>
    %jit3A_213 = arith.constant 3136 : i32
    %broadcast_in_dim3A_214 = vector.broadcast %jit3A_213 : i32 to vector<448x3136xi32>
    %select_n3A_215 = arith.select %eq3A_212, %iota3A, %broadcast_in_dim3A_214 : vector<448x3136xi1>, vector<448x3136xi32>
    %reduce_min3A_216 = arith.constant dense<2147483647> : vector<448xi32>
    %reduce_min3A_217 = vector.multi_reduction <minsi>, %select_n3A_215, %reduce_min3A_216 [1] : vector<448x3136xi32> to vector<448xi32>
    %broadcast_in_dim3A_218 = vector.shape_cast %reduce_min3A_217 : vector<448xi32> to vector<448x1xi32>
    %mul3A_219 = arith.constant 3136 : i32
    %mul3A_220 = arith.muli %arg1, %mul3A_219 : i32
    %add3A_221 = vector.broadcast %mul3A_220 : i32 to vector<448x1xi32>
    %add3A_222 = arith.addi %broadcast_in_dim3A_218, %add3A_221 : vector<448x1xi32>
    %swap3A_223 = arith.constant 0 : index
    %swap3A_224 = arith.constant 0 : index
    %swap3A_225 = arith.constant 7 : index
    %swap3A_226 = vector.load %arg7[%swap3A_223, %swap3A_224, %swap3A_225] : memref<1x448x16xi32, #tpu.memory_space<vmem>>, vector<1x448x1xi32>
    %swap3A_227 = vector.shape_cast %swap3A_226 : vector<1x448x1xi32> to vector<448x1xi32>
    %swap3A_228 = vector.shape_cast %add3A_222 : vector<448x1xi32> to vector<1x448x1xi32>
    tpu.vector_store %arg7[%swap3A_223, %swap3A_224, %swap3A_225], %swap3A_228 {strides = array<i32>} : memref<1x448x16xi32, #tpu.memory_space<vmem>>, vector<1x448x1xi32>,
    %eq3A_229 = vector.broadcast %broadcast_in_dim3A_218 : vector<448x1xi32> to vector<448x3136xi32>
    %eq3A_230 = arith.cmpi eq, %iota3A, %eq3A_229 : vector<448x3136xi32>
    %jit3A_231 = arith.constant 0x7F800000 : f32
    %broadcast_in_dim3A_232 = vector.broadcast %jit3A_231 : f32 to vector<448x3136xf32>
    %select_n3A_233 = arith.select %eq3A_230, %broadcast_in_dim3A_232, %select_n3A_207 : vector<448x3136xi1>, vector<448x3136xf32>
    %reduce_min3A_234 = arith.constant dense<0x7F800000> : vector<448xf32>
    %reduce_min3A_235 = vector.multi_reduction <minimumf>, %select_n3A_233, %reduce_min3A_234 [1] : vector<448x3136xf32> to vector<448xf32>
    %broadcast_in_dim3A_236 = vector.shape_cast %reduce_min3A_235 : vector<448xf32> to vector<448x1xf32>
    %eq3A_237 = vector.broadcast %broadcast_in_dim3A_236 : vector<448x1xf32> to vector<448x3136xf32>
    %eq3A_238 = arith.cmpf oeq, %select_n3A_233, %eq3A_237 : vector<448x3136xf32>
    %jit3A_239 = arith.constant 3136 : i32
    %broadcast_in_dim3A_240 = vector.broadcast %jit3A_239 : i32 to vector<448x3136xi32>
    %select_n3A_241 = arith.select %eq3A_238, %iota3A, %broadcast_in_dim3A_240 : vector<448x3136xi1>, vector<448x3136xi32>
    %reduce_min3A_242 = arith.constant dense<2147483647> : vector<448xi32>
    %reduce_min3A_243 = vector.multi_reduction <minsi>, %select_n3A_241, %reduce_min3A_242 [1] : vector<448x3136xi32> to vector<448xi32>
    %broadcast_in_dim3A_244 = vector.shape_cast %reduce_min3A_243 : vector<448xi32> to vector<448x1xi32>
    %mul3A_245 = arith.constant 3136 : i32
    %mul3A_246 = arith.muli %arg1, %mul3A_245 : i32
    %add3A_247 = vector.broadcast %mul3A_246 : i32 to vector<448x1xi32>
    %add3A_248 = arith.addi %broadcast_in_dim3A_244, %add3A_247 : vector<448x1xi32>
    %swap3A_249 = arith.constant 0 : index
    %swap3A_250 = arith.constant 0 : index
    %swap3A_251 = arith.constant 8 : index
    %swap3A_252 = vector.load %arg7[%swap3A_249, %swap3A_250, %swap3A_251] : memref<1x448x16xi32, #tpu.memory_space<vmem>>, vector<1x448x1xi32>
    %swap3A_253 = vector.shape_cast %swap3A_252 : vector<1x448x1xi32> to vector<448x1xi32>
    %swap3A_254 = vector.shape_cast %add3A_248 : vector<448x1xi32> to vector<1x448x1xi32>
    tpu.vector_store %arg7[%swap3A_249, %swap3A_250, %swap3A_251], %swap3A_254 {strides = array<i32>} : memref<1x448x16xi32, #tpu.memory_space<vmem>>, vector<1x448x1xi32>,
    return
  }
  func.func @transform_0(%arg0: i32, %arg1: i32) -> (i32, i32, i32) {
    %c0_i32 = arith.constant 0 : i32
    %c0_i32_0 = arith.constant 0 : i32
    return %arg1, %arg0, %c0_i32 : i32, i32, i32
  }
  func.func @transform_1(%arg0: i32, %arg1: i32) -> (i32, i32, i32) {
    %c0_i32 = arith.constant 0 : i32
    %c0_i32_0 = arith.constant 0 : i32
    %c0_i32_1 = arith.constant 0 : i32
    return %arg1, %c0_i32, %c0_i32_0 : i32, i32, i32
  }
  func.func @transform_2(%arg0: i32, %arg1: i32) -> (i32, i32, i32) {
    %c0_i32 = arith.constant 0 : i32
    %c0_i32_0 = arith.constant 0 : i32
    return %arg1, %arg0, %c0_i32 : i32, i32, i32
  }
  func.func @transform_3(%arg0: i32, %arg1: i32) -> (i32, i32, i32) {
    %c0_i32 = arith.constant 0 : i32
    %c0_i32_0 = arith.constant 0 : i32
    %c0_i32_1 = arith.constant 0 : i32
    return %arg1, %c0_i32, %c0_i32_0 : i32, i32, i32
  }
  func.func @transform_4(%arg0: i32, %arg1: i32) -> (i32, i32, i32) {
    %c0_i32 = arith.constant 0 : i32
    %c0_i32_0 = arith.constant 0 : i32
    %c0_i32_1 = arith.constant 0 : i32
    return %c0_i32, %arg0, %c0_i32_0 : i32, i32, i32
  }
  func.func @transform_5(%arg0: i32, %arg1: i32) -> (i32, i32, i32) {
    %c0_i32 = arith.constant 0 : i32
    %c0_i32_0 = arith.constant 0 : i32
    return %arg1, %arg0, %c0_i32 : i32, i32, i32
  }
}

module attributes {stable_mosaic.version = 14 : i64} {
  func.func @_mr_a_body(%arg0: i32, %arg1: i32, %arg2: memref<1x392x96xf32, #tpu.memory_space<vmem>>, %arg3: memref<192x192xf32, #tpu.memory_space<vmem>>, %arg4: memref<1x192xf32, #tpu.memory_space<vmem>>, %arg5: memref<392x128xf32, #tpu.memory_space<vmem>>, %arg6: memref<392x128xf32, #tpu.memory_space<vmem>>, %arg7: memref<392x128xf32, #tpu.memory_space<vmem>>, %arg8: memref<392x128xf32, #tpu.memory_space<vmem>>, %arg9: memref<392x128xf32, #tpu.memory_space<vmem>>, %arg10: memref<392x128xf32, #tpu.memory_space<vmem>>, %arg11: memref<392x128xf32, #tpu.memory_space<vmem>>, %arg12: memref<392x128xf32, #tpu.memory_space<vmem>>, %arg13: memref<392x128xf32, #tpu.memory_space<vmem>>, %arg14: memref<1x392x192xf32, #tpu.memory_space<vmem>>) attributes {dimension_semantics = [#tpu.dimension_semantics<arbitrary>, #tpu.dimension_semantics<arbitrary>], iteration_bounds = array<i64: 2, 8>, scalar_prefetch = 0 : i64, scratch_operands = 0 : i64, tpu.core_type = #tpu.core_type<tc>, window_params = [{transform_indices = @transform_0, window_bounds = array<i64: 1, 392, 96>}, {pipeline_mode = #tpu.pipeline_mode<synchronous>, transform_indices = @transform_1, window_bounds = array<i64: 192, 192>}, {pipeline_mode = #tpu.pipeline_mode<synchronous>, transform_indices = @transform_2, window_bounds = array<i64: 1, 192>}, {transform_indices = @transform_3, window_bounds = array<i64: 392, 128>}, {transform_indices = @transform_4, window_bounds = array<i64: 392, 128>}, {transform_indices = @transform_5, window_bounds = array<i64: 392, 128>}, {transform_indices = @transform_6, window_bounds = array<i64: 392, 128>}, {transform_indices = @transform_7, window_bounds = array<i64: 392, 128>}, {transform_indices = @transform_8, window_bounds = array<i64: 392, 128>}, {transform_indices = @transform_9, window_bounds = array<i64: 392, 128>}, {transform_indices = @transform_10, window_bounds = array<i64: 392, 128>}, {transform_indices = @transform_11, window_bounds = array<i64: 392, 128>}, {transform_indices = @transform_12, window_bounds = array<i64: 1, 392, 192>}]} {
    %get3A = arith.constant 0 : index
    %get3A_0 = arith.constant 0 : index
    %get3A_1 = arith.constant 0 : index
    %get3A_2 = vector.load %arg2[%get3A, %get3A_0, %get3A_1] : memref<1x392x96xf32, #tpu.memory_space<vmem>>, vector<1x392x96xf32>
    %get3A_3 = vector.shape_cast %get3A_2 : vector<1x392x96xf32> to vector<392x96xf32>
    %get3A_4 = arith.constant 0 : index
    %get3A_5 = arith.constant 0 : index
    %get3A_6 = vector.load %arg5[%get3A_4, %get3A_5] : memref<392x128xf32, #tpu.memory_space<vmem>>, vector<392x96xf32>
    %get3A_7 = arith.constant 0 : index
    %get3A_8 = arith.constant 0 : index
    %get3A_9 = vector.load %arg6[%get3A_7, %get3A_8] : memref<392x128xf32, #tpu.memory_space<vmem>>, vector<392x96xf32>
    %max3A = arith.maximumf %get3A_6, %get3A_9 : vector<392x96xf32>
    %get3A_10 = arith.constant 0 : index
    %get3A_11 = arith.constant 0 : index
    %get3A_12 = vector.load %arg7[%get3A_10, %get3A_11] : memref<392x128xf32, #tpu.memory_space<vmem>>, vector<392x96xf32>
    %max3A_13 = arith.maximumf %max3A, %get3A_12 : vector<392x96xf32>
    %get3A_14 = arith.constant 0 : index
    %get3A_15 = arith.constant 0 : index
    %get3A_16 = vector.load %arg8[%get3A_14, %get3A_15] : memref<392x128xf32, #tpu.memory_space<vmem>>, vector<392x96xf32>
    %max3A_17 = arith.maximumf %max3A_13, %get3A_16 : vector<392x96xf32>
    %get3A_18 = arith.constant 0 : index
    %get3A_19 = arith.constant 0 : index
    %get3A_20 = vector.load %arg9[%get3A_18, %get3A_19] : memref<392x128xf32, #tpu.memory_space<vmem>>, vector<392x96xf32>
    %max3A_21 = arith.maximumf %max3A_17, %get3A_20 : vector<392x96xf32>
    %get3A_22 = arith.constant 0 : index
    %get3A_23 = arith.constant 0 : index
    %get3A_24 = vector.load %arg10[%get3A_22, %get3A_23] : memref<392x128xf32, #tpu.memory_space<vmem>>, vector<392x96xf32>
    %max3A_25 = arith.maximumf %max3A_21, %get3A_24 : vector<392x96xf32>
    %get3A_26 = arith.constant 0 : index
    %get3A_27 = arith.constant 0 : index
    %get3A_28 = vector.load %arg11[%get3A_26, %get3A_27] : memref<392x128xf32, #tpu.memory_space<vmem>>, vector<392x96xf32>
    %max3A_29 = arith.maximumf %max3A_25, %get3A_28 : vector<392x96xf32>
    %get3A_30 = arith.constant 0 : index
    %get3A_31 = arith.constant 0 : index
    %get3A_32 = vector.load %arg12[%get3A_30, %get3A_31] : memref<392x128xf32, #tpu.memory_space<vmem>>, vector<392x96xf32>
    %max3A_33 = arith.maximumf %max3A_29, %get3A_32 : vector<392x96xf32>
    %get3A_34 = arith.constant 0 : index
    %get3A_35 = arith.constant 0 : index
    %get3A_36 = vector.load %arg13[%get3A_34, %get3A_35] : memref<392x128xf32, #tpu.memory_space<vmem>>, vector<392x96xf32>
    %max3A_37 = arith.maximumf %max3A_33, %get3A_36 : vector<392x96xf32>
    %sub3A = arith.subf %max3A_37, %get3A_3 : vector<392x96xf32>
    %stack3A = vector.shape_cast %get3A_3 : vector<392x96xf32> to vector<392x96x1xf32>
    %stack3A_38 = vector.shape_cast %sub3A : vector<392x96xf32> to vector<392x96x1xf32>
    %stack3A_39 = tpu.concatenate %stack3A, %stack3A_38 in 2 : vector<392x96x1xf32>, vector<392x96x1xf32> -> vector<392x96x2xf32>
    %reshape3A = vector.shape_cast %stack3A_39 : vector<392x96x2xf32> to vector<392x192xf32>
    %get3A_40 = arith.constant 0 : index
    %get3A_41 = arith.constant 0 : index
    %get3A_42 = vector.load %arg3[%get3A_40, %get3A_41] : memref<192x192xf32, #tpu.memory_space<vmem>>, vector<192x192xf32>
    %convert_element_type3A = arith.truncf %reshape3A : vector<392x192xf32> to vector<392x192xbf16>
    %convert_element_type3A_43 = arith.truncf %get3A_42 : vector<192x192xf32> to vector<192x192xbf16>
    %dot_general3A = arith.constant dense<0.000000e+00> : vector<392x192xf32>
    %dot_general3A_44 = tpu.matmul %convert_element_type3A, %convert_element_type3A_43, %dot_general3A {dimension_numbers = #tpu.dot_dimension_numbers<[1], [0], [0], [1], [0, 0, 1, 1], [], []>, transpose_lhs_hint = false} : vector<392x192xbf16>, vector<192x192xbf16>, vector<392x192xf32> -> vector<392x192xf32>
    %get3A_45 = arith.constant 0 : index
    %get3A_46 = arith.constant 0 : index
    %get3A_47 = vector.load %arg4[%get3A_45, %get3A_46] : memref<1x192xf32, #tpu.memory_space<vmem>>, vector<1x192xf32>
    %add3A = vector.broadcast %get3A_47 : vector<1x192xf32> to vector<392x192xf32>
    %add3A_48 = arith.addf %dot_general3A_44, %add3A : vector<392x192xf32>
    %swap3A = arith.constant 0 : index
    %swap3A_49 = arith.constant 0 : index
    %swap3A_50 = arith.constant 0 : index
    %swap3A_51 = vector.load %arg14[%swap3A, %swap3A_49, %swap3A_50] : memref<1x392x192xf32, #tpu.memory_space<vmem>>, vector<1x392x192xf32>
    %swap3A_52 = vector.shape_cast %swap3A_51 : vector<1x392x192xf32> to vector<392x192xf32>
    %swap3A_53 = vector.shape_cast %add3A_48 : vector<392x192xf32> to vector<1x392x192xf32>
    tpu.vector_store %arg14[%swap3A, %swap3A_49, %swap3A_50], %swap3A_53 {strides = array<i32>} : memref<1x392x192xf32, #tpu.memory_space<vmem>>, vector<1x392x192xf32>,
    return
  }
  func.func @transform_0(%arg0: i32, %arg1: i32) -> (i32, i32, i32) {
    %c0_i32 = arith.constant 0 : i32
    %c0_i32_0 = arith.constant 0 : i32
    return %arg0, %arg1, %c0_i32 : i32, i32, i32
  }
  func.func @transform_1(%arg0: i32, %arg1: i32) -> (i32, i32) {
    %c0_i32 = arith.constant 0 : i32
    %c0_i32_0 = arith.constant 0 : i32
    %c0_i32_1 = arith.constant 0 : i32
    return %c0_i32, %c0_i32_0 : i32, i32
  }
  func.func @transform_2(%arg0: i32, %arg1: i32) -> (i32, i32) {
    %c0_i32 = arith.constant 0 : i32
    %c0_i32_0 = arith.constant 0 : i32
    %c0_i32_1 = arith.constant 0 : i32
    return %c0_i32, %c0_i32_0 : i32, i32
  }
  func.func @transform_3(%arg0: i32, %arg1: i32) -> (i32, i32) {
    %mul3A = arith.constant 8 : i32
    %mul3A_0 = arith.muli %arg0, %mul3A : i32
    %add3A = arith.constant 0 : i32
    %add3A_1 = arith.addi %add3A, %mul3A_0 : i32
    %add3A_2 = arith.addi %add3A_1, %arg1 : i32
    %c0_i32 = arith.constant 0 : i32
    %c0_i32_3 = arith.constant 0 : i32
    return %add3A_2, %c0_i32 : i32, i32
  }
  func.func @transform_4(%arg0: i32, %arg1: i32) -> (i32, i32) {
    %mul3A = arith.constant 8 : i32
    %mul3A_0 = arith.muli %arg0, %mul3A : i32
    %add3A = arith.constant 16 : i32
    %add3A_1 = arith.addi %add3A, %mul3A_0 : i32
    %add3A_2 = arith.addi %add3A_1, %arg1 : i32
    %c0_i32 = arith.constant 0 : i32
    %c0_i32_3 = arith.constant 0 : i32
    return %add3A_2, %c0_i32 : i32, i32
  }
  func.func @transform_5(%arg0: i32, %arg1: i32) -> (i32, i32) {
    %mul3A = arith.constant 8 : i32
    %mul3A_0 = arith.muli %arg0, %mul3A : i32
    %add3A = arith.constant 32 : i32
    %add3A_1 = arith.addi %add3A, %mul3A_0 : i32
    %add3A_2 = arith.addi %add3A_1, %arg1 : i32
    %c0_i32 = arith.constant 0 : i32
    %c0_i32_3 = arith.constant 0 : i32
    return %add3A_2, %c0_i32 : i32, i32
  }
  func.func @transform_6(%arg0: i32, %arg1: i32) -> (i32, i32) {
    %mul3A = arith.constant 8 : i32
    %mul3A_0 = arith.muli %arg0, %mul3A : i32
    %add3A = arith.constant 48 : i32
    %add3A_1 = arith.addi %add3A, %mul3A_0 : i32
    %add3A_2 = arith.addi %add3A_1, %arg1 : i32
    %c0_i32 = arith.constant 0 : i32
    %c0_i32_3 = arith.constant 0 : i32
    return %add3A_2, %c0_i32 : i32, i32
  }
  func.func @transform_7(%arg0: i32, %arg1: i32) -> (i32, i32) {
    %mul3A = arith.constant 8 : i32
    %mul3A_0 = arith.muli %arg0, %mul3A : i32
    %add3A = arith.constant 64 : i32
    %add3A_1 = arith.addi %add3A, %mul3A_0 : i32
    %add3A_2 = arith.addi %add3A_1, %arg1 : i32
    %c0_i32 = arith.constant 0 : i32
    %c0_i32_3 = arith.constant 0 : i32
    return %add3A_2, %c0_i32 : i32, i32
  }
  func.func @transform_8(%arg0: i32, %arg1: i32) -> (i32, i32) {
    %mul3A = arith.constant 8 : i32
    %mul3A_0 = arith.muli %arg0, %mul3A : i32
    %add3A = arith.constant 80 : i32
    %add3A_1 = arith.addi %add3A, %mul3A_0 : i32
    %add3A_2 = arith.addi %add3A_1, %arg1 : i32
    %c0_i32 = arith.constant 0 : i32
    %c0_i32_3 = arith.constant 0 : i32
    return %add3A_2, %c0_i32 : i32, i32
  }
  func.func @transform_9(%arg0: i32, %arg1: i32) -> (i32, i32) {
    %mul3A = arith.constant 8 : i32
    %mul3A_0 = arith.muli %arg0, %mul3A : i32
    %add3A = arith.constant 96 : i32
    %add3A_1 = arith.addi %add3A, %mul3A_0 : i32
    %add3A_2 = arith.addi %add3A_1, %arg1 : i32
    %c0_i32 = arith.constant 0 : i32
    %c0_i32_3 = arith.constant 0 : i32
    return %add3A_2, %c0_i32 : i32, i32
  }
  func.func @transform_10(%arg0: i32, %arg1: i32) -> (i32, i32) {
    %mul3A = arith.constant 8 : i32
    %mul3A_0 = arith.muli %arg0, %mul3A : i32
    %add3A = arith.constant 112 : i32
    %add3A_1 = arith.addi %add3A, %mul3A_0 : i32
    %add3A_2 = arith.addi %add3A_1, %arg1 : i32
    %c0_i32 = arith.constant 0 : i32
    %c0_i32_3 = arith.constant 0 : i32
    return %add3A_2, %c0_i32 : i32, i32
  }
  func.func @transform_11(%arg0: i32, %arg1: i32) -> (i32, i32) {
    %mul3A = arith.constant 8 : i32
    %mul3A_0 = arith.muli %arg0, %mul3A : i32
    %add3A = arith.constant 128 : i32
    %add3A_1 = arith.addi %add3A, %mul3A_0 : i32
    %add3A_2 = arith.addi %add3A_1, %arg1 : i32
    %c0_i32 = arith.constant 0 : i32
    %c0_i32_3 = arith.constant 0 : i32
    return %add3A_2, %c0_i32 : i32, i32
  }
  func.func @transform_12(%arg0: i32, %arg1: i32) -> (i32, i32, i32) {
    %c0_i32 = arith.constant 0 : i32
    %c0_i32_0 = arith.constant 0 : i32
    return %arg0, %arg1, %c0_i32 : i32, i32, i32
  }
}

module attributes {stable_mosaic.version = 14 : i64} {
  func.func @_mr_b_body(%arg0: memref<2x3136x192xf32, #tpu.memory_space<vmem>>, %arg1: memref<192x96xf32, #tpu.memory_space<vmem>>, %arg2: memref<1x96xf32, #tpu.memory_space<vmem>>, %arg3: memref<1x96xf32, #tpu.memory_space<vmem>>, %arg4: memref<1x96xf32, #tpu.memory_space<vmem>>, %arg5: memref<6272x96xf32, #tpu.memory_space<vmem>>, %arg6: memref<6272x96xf32, #tpu.memory_space<vmem>>) attributes {dimension_semantics = [], scalar_prefetch = 0 : i64, scratch_operands = 0 : i64, tpu.core_type = #tpu.core_type<tc>} {
    %get3A = arith.constant 0 : index
    %get3A_0 = arith.constant 0 : index
    %get3A_1 = arith.constant 0 : index
    %get3A_2 = vector.load %arg0[%get3A, %get3A_0, %get3A_1] : memref<2x3136x192xf32, #tpu.memory_space<vmem>>, vector<2x3136x192xf32>
    %transpose3A = tpu.transpose %get3A_2, [0, 2, 1] : vector<2x3136x192xf32> -> vector<2x192x3136xf32>
    %reduce_sum3A = arith.constant dense<0.000000e+00> : vector<2x192xf32>
    %reduce_sum3A_3 = vector.multi_reduction <add>, %transpose3A, %reduce_sum3A [2] : vector<2x192x3136xf32> to vector<2x192xf32>
    %broadcast_in_dim3A = vector.shape_cast %reduce_sum3A_3 : vector<2x192xf32> to vector<2x192x1xf32>
    %div3A = arith.constant 3.136000e+03 : f32
    %div3A_4 = vector.broadcast %div3A : f32 to vector<2x192x1xf32>
    %div3A_5 = arith.divf %broadcast_in_dim3A, %div3A_4 : vector<2x192x1xf32>
    %sub3A = vector.broadcast %div3A_5 : vector<2x192x1xf32> to vector<2x192x3136xf32>
    %sub3A_6 = arith.subf %transpose3A, %sub3A : vector<2x192x3136xf32>
    %mul3A = arith.mulf %sub3A_6, %sub3A_6 : vector<2x192x3136xf32>
    %reduce_sum3A_7 = arith.constant dense<0.000000e+00> : vector<2x192xf32>
    %reduce_sum3A_8 = vector.multi_reduction <add>, %mul3A, %reduce_sum3A_7 [2] : vector<2x192x3136xf32> to vector<2x192xf32>
    %broadcast_in_dim3A_9 = vector.shape_cast %reduce_sum3A_8 : vector<2x192xf32> to vector<2x192x1xf32>
    %div3A_10 = arith.constant 3.136000e+03 : f32
    %div3A_11 = vector.broadcast %div3A_10 : f32 to vector<2x192x1xf32>
    %div3A_12 = arith.divf %broadcast_in_dim3A_9, %div3A_11 : vector<2x192x1xf32>
    %add3A = arith.constant 9.99999974E-6 : f32
    %add3A_13 = vector.broadcast %add3A : f32 to vector<2x192x1xf32>
    %add3A_14 = arith.addf %div3A_12, %add3A_13 : vector<2x192x1xf32>
    %sqrt3A = math.sqrt %add3A_14 : vector<2x192x1xf32>
    %div3A_15 = vector.broadcast %sqrt3A : vector<2x192x1xf32> to vector<2x192x3136xf32>
    %div3A_16 = arith.divf %sub3A_6, %div3A_15 : vector<2x192x3136xf32>
    %transpose3A_17 = tpu.transpose %div3A_16, [0, 2, 1] : vector<2x192x3136xf32> -> vector<2x3136x192xf32>
    %reshape3A = vector.shape_cast %transpose3A_17 : vector<2x3136x192xf32> to vector<6272x192xf32>
    %mul3A_18 = arith.constant 5.000000e-01 : f32
    %mul3A_19 = vector.broadcast %mul3A_18 : f32 to vector<6272x192xf32>
    %mul3A_20 = arith.mulf %mul3A_19, %reshape3A : vector<6272x192xf32>
    %mul3A_21 = arith.constant 0.707106769 : f32
    %mul3A_22 = vector.broadcast %mul3A_21 : f32 to vector<6272x192xf32>
    %mul3A_23 = arith.mulf %reshape3A, %mul3A_22 : vector<6272x192xf32>
    %erf3A = math.erf %mul3A_23 : vector<6272x192xf32>
    %add3A_24 = arith.constant 1.000000e+00 : f32
    %add3A_25 = vector.broadcast %add3A_24 : f32 to vector<6272x192xf32>
    %add3A_26 = arith.addf %add3A_25, %erf3A : vector<6272x192xf32>
    %mul3A_27 = arith.mulf %mul3A_20, %add3A_26 : vector<6272x192xf32>
    %get3A_28 = arith.constant 0 : index
    %get3A_29 = arith.constant 0 : index
    %get3A_30 = vector.load %arg1[%get3A_28, %get3A_29] : memref<192x96xf32, #tpu.memory_space<vmem>>, vector<192x96xf32>
    %convert_element_type3A = arith.truncf %mul3A_27 : vector<6272x192xf32> to vector<6272x192xbf16>
    %convert_element_type3A_31 = arith.truncf %get3A_30 : vector<192x96xf32> to vector<192x96xbf16>
    %dot_general3A = arith.constant dense<0.000000e+00> : vector<6272x96xf32>
    %dot_general3A_32 = tpu.matmul %convert_element_type3A, %convert_element_type3A_31, %dot_general3A {dimension_numbers = #tpu.dot_dimension_numbers<[1], [0], [0], [1], [0, 0, 1, 1], [], []>, transpose_lhs_hint = false} : vector<6272x192xbf16>, vector<192x96xbf16>, vector<6272x96xf32> -> vector<6272x96xf32>
    %get3A_33 = arith.constant 0 : index
    %get3A_34 = arith.constant 0 : index
    %get3A_35 = vector.load %arg2[%get3A_33, %get3A_34] : memref<1x96xf32, #tpu.memory_space<vmem>>, vector<1x96xf32>
    %add3A_36 = vector.broadcast %get3A_35 : vector<1x96xf32> to vector<6272x96xf32>
    %add3A_37 = arith.addf %dot_general3A_32, %add3A_36 : vector<6272x96xf32>
    %get3A_38 = arith.constant 0 : index
    %get3A_39 = arith.constant 0 : index
    %get3A_40 = vector.load %arg3[%get3A_38, %get3A_39] : memref<1x96xf32, #tpu.memory_space<vmem>>, vector<1x96xf32>
    %get3A_41 = arith.constant 0 : index
    %get3A_42 = arith.constant 0 : index
    %get3A_43 = vector.load %arg4[%get3A_41, %get3A_42] : memref<1x96xf32, #tpu.memory_space<vmem>>, vector<1x96xf32>
    %reduce_sum3A_44 = arith.constant dense<0.000000e+00> : vector<96xf32>
    %reduce_sum3A_45 = vector.multi_reduction <add>, %add3A_37, %reduce_sum3A_44 [0] : vector<6272x96xf32> to vector<96xf32>
    %broadcast_in_dim3A_46 = vector.shape_cast %reduce_sum3A_45 : vector<96xf32> to vector<1x96xf32>
    %div3A_47 = arith.constant 6.272000e+03 : f32
    %div3A_48 = vector.broadcast %div3A_47 : f32 to vector<1x96xf32>
    %div3A_49 = arith.divf %broadcast_in_dim3A_46, %div3A_48 : vector<1x96xf32>
    %sub3A_50 = vector.broadcast %div3A_49 : vector<1x96xf32> to vector<6272x96xf32>
    %sub3A_51 = arith.subf %add3A_37, %sub3A_50 : vector<6272x96xf32>
    %integer_pow3A = arith.mulf %sub3A_51, %sub3A_51 : vector<6272x96xf32>
    %reduce_sum3A_52 = arith.constant dense<0.000000e+00> : vector<96xf32>
    %reduce_sum3A_53 = vector.multi_reduction <add>, %integer_pow3A, %reduce_sum3A_52 [0] : vector<6272x96xf32> to vector<96xf32>
    %broadcast_in_dim3A_54 = vector.shape_cast %reduce_sum3A_53 : vector<96xf32> to vector<1x96xf32>
    %div3A_55 = arith.constant 6.272000e+03 : f32
    %div3A_56 = vector.broadcast %div3A_55 : f32 to vector<1x96xf32>
    %div3A_57 = arith.divf %broadcast_in_dim3A_54, %div3A_56 : vector<1x96xf32>
    %sub3A_58 = vector.broadcast %div3A_49 : vector<1x96xf32> to vector<6272x96xf32>
    %sub3A_59 = arith.subf %add3A_37, %sub3A_58 : vector<6272x96xf32>
    %add3A_60 = arith.constant 9.99999974E-6 : f32
    %add3A_61 = vector.broadcast %add3A_60 : f32 to vector<1x96xf32>
    %add3A_62 = arith.addf %div3A_57, %add3A_61 : vector<1x96xf32>
    %sqrt3A_63 = math.sqrt %add3A_62 : vector<1x96xf32>
    %div3A_64 = vector.broadcast %sqrt3A_63 : vector<1x96xf32> to vector<6272x96xf32>
    %div3A_65 = arith.divf %sub3A_59, %div3A_64 : vector<6272x96xf32>
    %mul3A_66 = vector.broadcast %get3A_40 : vector<1x96xf32> to vector<6272x96xf32>
    %mul3A_67 = arith.mulf %div3A_65, %mul3A_66 : vector<6272x96xf32>
    %add3A_68 = vector.broadcast %get3A_43 : vector<1x96xf32> to vector<6272x96xf32>
    %add3A_69 = arith.addf %mul3A_67, %add3A_68 : vector<6272x96xf32>
    %get3A_70 = arith.constant 0 : index
    %get3A_71 = arith.constant 0 : index
    %get3A_72 = vector.load %arg5[%get3A_70, %get3A_71] : memref<6272x96xf32, #tpu.memory_space<vmem>>, vector<6272x96xf32>
    %add3A_73 = arith.addf %add3A_69, %get3A_72 : vector<6272x96xf32>
    %swap3A = arith.constant 0 : index
    %swap3A_74 = arith.constant 0 : index
    %swap3A_75 = vector.load %arg6[%swap3A, %swap3A_74] : memref<6272x96xf32, #tpu.memory_space<vmem>>, vector<6272x96xf32>
    tpu.vector_store %arg6[%swap3A, %swap3A_74], %add3A_73 {strides = array<i32>} : memref<6272x96xf32, #tpu.memory_space<vmem>>, vector<6272x96xf32>,
    return
  }
}

module attributes {stable_mosaic.version = 14 : i64} {
  func.func @_ffn_body(%arg0: memref<6272x96xf32, #tpu.memory_space<vmem>>, %arg1: memref<96x384xf32, #tpu.memory_space<vmem>>, %arg2: memref<1x384xf32, #tpu.memory_space<vmem>>, %arg3: memref<384x96xf32, #tpu.memory_space<vmem>>, %arg4: memref<1x96xf32, #tpu.memory_space<vmem>>, %arg5: memref<6272x96xf32, #tpu.memory_space<vmem>>, %arg6: memref<6272x96xf32, #tpu.memory_space<vmem>>) attributes {dimension_semantics = [], scalar_prefetch = 0 : i64, scratch_operands = 0 : i64, tpu.core_type = #tpu.core_type<tc>} {
    %get3A = arith.constant 0 : index
    %get3A_0 = arith.constant 0 : index
    %get3A_1 = vector.load %arg0[%get3A, %get3A_0] : memref<6272x96xf32, #tpu.memory_space<vmem>>, vector<6272x96xf32>
    %get3A_2 = arith.constant 0 : index
    %get3A_3 = arith.constant 0 : index
    %get3A_4 = vector.load %arg1[%get3A_2, %get3A_3] : memref<96x384xf32, #tpu.memory_space<vmem>>, vector<96x384xf32>
    %convert_element_type3A = arith.truncf %get3A_1 : vector<6272x96xf32> to vector<6272x96xbf16>
    %convert_element_type3A_5 = arith.truncf %get3A_4 : vector<96x384xf32> to vector<96x384xbf16>
    %dot_general3A = arith.constant dense<0.000000e+00> : vector<6272x384xf32>
    %dot_general3A_6 = tpu.matmul %convert_element_type3A, %convert_element_type3A_5, %dot_general3A {dimension_numbers = #tpu.dot_dimension_numbers<[1], [0], [0], [1], [0, 0, 1, 1], [], []>, transpose_lhs_hint = false} : vector<6272x96xbf16>, vector<96x384xbf16>, vector<6272x384xf32> -> vector<6272x384xf32>
    %get3A_7 = arith.constant 0 : index
    %get3A_8 = arith.constant 0 : index
    %get3A_9 = vector.load %arg2[%get3A_7, %get3A_8] : memref<1x384xf32, #tpu.memory_space<vmem>>, vector<1x384xf32>
    %add3A = vector.broadcast %get3A_9 : vector<1x384xf32> to vector<6272x384xf32>
    %add3A_10 = arith.addf %dot_general3A_6, %add3A : vector<6272x384xf32>
    %reshape3A = vector.shape_cast %add3A_10 : vector<6272x384xf32> to vector<2x3136x384xf32>
    %reduce_sum3A = arith.constant dense<0.000000e+00> : vector<2x384xf32>
    %reduce_sum3A_11 = vector.multi_reduction <add>, %reshape3A, %reduce_sum3A [1] : vector<2x3136x384xf32> to vector<2x384xf32>
    %broadcast_in_dim3A = vector.shape_cast %reduce_sum3A_11 : vector<2x384xf32> to vector<2x1x384xf32>
    %div3A = arith.constant 3.136000e+03 : f32
    %div3A_12 = vector.broadcast %div3A : f32 to vector<2x1x384xf32>
    %div3A_13 = arith.divf %broadcast_in_dim3A, %div3A_12 : vector<2x1x384xf32>
    %sub3A = vector.broadcast %div3A_13 : vector<2x1x384xf32> to vector<2x3136x384xf32>
    %sub3A_14 = arith.subf %reshape3A, %sub3A : vector<2x3136x384xf32>
    %integer_pow3A = arith.mulf %sub3A_14, %sub3A_14 : vector<2x3136x384xf32>
    %reduce_sum3A_15 = arith.constant dense<0.000000e+00> : vector<2x384xf32>
    %reduce_sum3A_16 = vector.multi_reduction <add>, %integer_pow3A, %reduce_sum3A_15 [1] : vector<2x3136x384xf32> to vector<2x384xf32>
    %broadcast_in_dim3A_17 = vector.shape_cast %reduce_sum3A_16 : vector<2x384xf32> to vector<2x1x384xf32>
    %div3A_18 = arith.constant 3.136000e+03 : f32
    %div3A_19 = vector.broadcast %div3A_18 : f32 to vector<2x1x384xf32>
    %div3A_20 = arith.divf %broadcast_in_dim3A_17, %div3A_19 : vector<2x1x384xf32>
    %sub3A_21 = vector.broadcast %div3A_13 : vector<2x1x384xf32> to vector<2x3136x384xf32>
    %sub3A_22 = arith.subf %reshape3A, %sub3A_21 : vector<2x3136x384xf32>
    %add3A_23 = arith.constant 9.99999974E-6 : f32
    %add3A_24 = vector.broadcast %add3A_23 : f32 to vector<2x1x384xf32>
    %add3A_25 = arith.addf %div3A_20, %add3A_24 : vector<2x1x384xf32>
    %sqrt3A = math.sqrt %add3A_25 : vector<2x1x384xf32>
    %div3A_26 = vector.broadcast %sqrt3A : vector<2x1x384xf32> to vector<2x3136x384xf32>
    %div3A_27 = arith.divf %sub3A_22, %div3A_26 : vector<2x3136x384xf32>
    %reshape3A_28 = vector.shape_cast %div3A_27 : vector<2x3136x384xf32> to vector<6272x384xf32>
    %mul3A = arith.constant 5.000000e-01 : f32
    %mul3A_29 = vector.broadcast %mul3A : f32 to vector<6272x384xf32>
    %mul3A_30 = arith.mulf %mul3A_29, %reshape3A_28 : vector<6272x384xf32>
    %mul3A_31 = arith.constant 0.707106769 : f32
    %mul3A_32 = vector.broadcast %mul3A_31 : f32 to vector<6272x384xf32>
    %mul3A_33 = arith.mulf %reshape3A_28, %mul3A_32 : vector<6272x384xf32>
    %erf3A = math.erf %mul3A_33 : vector<6272x384xf32>
    %add3A_34 = arith.constant 1.000000e+00 : f32
    %add3A_35 = vector.broadcast %add3A_34 : f32 to vector<6272x384xf32>
    %add3A_36 = arith.addf %add3A_35, %erf3A : vector<6272x384xf32>
    %mul3A_37 = arith.mulf %mul3A_30, %add3A_36 : vector<6272x384xf32>
    %get3A_38 = arith.constant 0 : index
    %get3A_39 = arith.constant 0 : index
    %get3A_40 = vector.load %arg3[%get3A_38, %get3A_39] : memref<384x96xf32, #tpu.memory_space<vmem>>, vector<384x96xf32>
    %convert_element_type3A_41 = arith.truncf %mul3A_37 : vector<6272x384xf32> to vector<6272x384xbf16>
    %convert_element_type3A_42 = arith.truncf %get3A_40 : vector<384x96xf32> to vector<384x96xbf16>
    %dot_general3A_43 = arith.constant dense<0.000000e+00> : vector<6272x96xf32>
    %dot_general3A_44 = tpu.matmul %convert_element_type3A_41, %convert_element_type3A_42, %dot_general3A_43 {dimension_numbers = #tpu.dot_dimension_numbers<[1], [0], [0], [1], [0, 0, 1, 1], [], []>, transpose_lhs_hint = false} : vector<6272x384xbf16>, vector<384x96xbf16>, vector<6272x96xf32> -> vector<6272x96xf32>
    %get3A_45 = arith.constant 0 : index
    %get3A_46 = arith.constant 0 : index
    %get3A_47 = vector.load %arg4[%get3A_45, %get3A_46] : memref<1x96xf32, #tpu.memory_space<vmem>>, vector<1x96xf32>
    %add3A_48 = vector.broadcast %get3A_47 : vector<1x96xf32> to vector<6272x96xf32>
    %add3A_49 = arith.addf %dot_general3A_44, %add3A_48 : vector<6272x96xf32>
    %reshape3A_50 = vector.shape_cast %add3A_49 : vector<6272x96xf32> to vector<2x3136x96xf32>
    %reduce_sum3A_51 = arith.constant dense<0.000000e+00> : vector<2x96xf32>
    %reduce_sum3A_52 = vector.multi_reduction <add>, %reshape3A_50, %reduce_sum3A_51 [1] : vector<2x3136x96xf32> to vector<2x96xf32>
    %broadcast_in_dim3A_53 = vector.shape_cast %reduce_sum3A_52 : vector<2x96xf32> to vector<2x1x96xf32>
    %div3A_54 = arith.constant 3.136000e+03 : f32
    %div3A_55 = vector.broadcast %div3A_54 : f32 to vector<2x1x96xf32>
    %div3A_56 = arith.divf %broadcast_in_dim3A_53, %div3A_55 : vector<2x1x96xf32>
    %sub3A_57 = vector.broadcast %div3A_56 : vector<2x1x96xf32> to vector<2x3136x96xf32>
    %sub3A_58 = arith.subf %reshape3A_50, %sub3A_57 : vector<2x3136x96xf32>
    %integer_pow3A_59 = arith.mulf %sub3A_58, %sub3A_58 : vector<2x3136x96xf32>
    %reduce_sum3A_60 = arith.constant dense<0.000000e+00> : vector<2x96xf32>
    %reduce_sum3A_61 = vector.multi_reduction <add>, %integer_pow3A_59, %reduce_sum3A_60 [1] : vector<2x3136x96xf32> to vector<2x96xf32>
    %broadcast_in_dim3A_62 = vector.shape_cast %reduce_sum3A_61 : vector<2x96xf32> to vector<2x1x96xf32>
    %div3A_63 = arith.constant 3.136000e+03 : f32
    %div3A_64 = vector.broadcast %div3A_63 : f32 to vector<2x1x96xf32>
    %div3A_65 = arith.divf %broadcast_in_dim3A_62, %div3A_64 : vector<2x1x96xf32>
    %sub3A_66 = vector.broadcast %div3A_56 : vector<2x1x96xf32> to vector<2x3136x96xf32>
    %sub3A_67 = arith.subf %reshape3A_50, %sub3A_66 : vector<2x3136x96xf32>
    %add3A_68 = arith.constant 9.99999974E-6 : f32
    %add3A_69 = vector.broadcast %add3A_68 : f32 to vector<2x1x96xf32>
    %add3A_70 = arith.addf %div3A_65, %add3A_69 : vector<2x1x96xf32>
    %sqrt3A_71 = math.sqrt %add3A_70 : vector<2x1x96xf32>
    %div3A_72 = vector.broadcast %sqrt3A_71 : vector<2x1x96xf32> to vector<2x3136x96xf32>
    %div3A_73 = arith.divf %sub3A_67, %div3A_72 : vector<2x3136x96xf32>
    %reshape3A_74 = vector.shape_cast %div3A_73 : vector<2x3136x96xf32> to vector<6272x96xf32>
    %add3A_75 = arith.addf %reshape3A_74, %get3A_1 : vector<6272x96xf32>
    %reshape3A_76 = vector.shape_cast %add3A_75 : vector<6272x96xf32> to vector<2x3136x96xf32>
    %reduce_sum3A_77 = arith.constant dense<0.000000e+00> : vector<2x96xf32>
    %reduce_sum3A_78 = vector.multi_reduction <add>, %reshape3A_76, %reduce_sum3A_77 [1] : vector<2x3136x96xf32> to vector<2x96xf32>
    %broadcast_in_dim3A_79 = vector.shape_cast %reduce_sum3A_78 : vector<2x96xf32> to vector<2x1x96xf32>
    %div3A_80 = arith.constant 3.136000e+03 : f32
    %div3A_81 = vector.broadcast %div3A_80 : f32 to vector<2x1x96xf32>
    %div3A_82 = arith.divf %broadcast_in_dim3A_79, %div3A_81 : vector<2x1x96xf32>
    %sub3A_83 = vector.broadcast %div3A_82 : vector<2x1x96xf32> to vector<2x3136x96xf32>
    %sub3A_84 = arith.subf %reshape3A_76, %sub3A_83 : vector<2x3136x96xf32>
    %integer_pow3A_85 = arith.mulf %sub3A_84, %sub3A_84 : vector<2x3136x96xf32>
    %reduce_sum3A_86 = arith.constant dense<0.000000e+00> : vector<2x96xf32>
    %reduce_sum3A_87 = vector.multi_reduction <add>, %integer_pow3A_85, %reduce_sum3A_86 [1] : vector<2x3136x96xf32> to vector<2x96xf32>
    %broadcast_in_dim3A_88 = vector.shape_cast %reduce_sum3A_87 : vector<2x96xf32> to vector<2x1x96xf32>
    %div3A_89 = arith.constant 3.136000e+03 : f32
    %div3A_90 = vector.broadcast %div3A_89 : f32 to vector<2x1x96xf32>
    %div3A_91 = arith.divf %broadcast_in_dim3A_88, %div3A_90 : vector<2x1x96xf32>
    %sub3A_92 = vector.broadcast %div3A_82 : vector<2x1x96xf32> to vector<2x3136x96xf32>
    %sub3A_93 = arith.subf %reshape3A_76, %sub3A_92 : vector<2x3136x96xf32>
    %add3A_94 = arith.constant 9.99999974E-6 : f32
    %add3A_95 = vector.broadcast %add3A_94 : f32 to vector<2x1x96xf32>
    %add3A_96 = arith.addf %div3A_91, %add3A_95 : vector<2x1x96xf32>
    %sqrt3A_97 = math.sqrt %add3A_96 : vector<2x1x96xf32>
    %div3A_98 = vector.broadcast %sqrt3A_97 : vector<2x1x96xf32> to vector<2x3136x96xf32>
    %div3A_99 = arith.divf %sub3A_93, %div3A_98 : vector<2x3136x96xf32>
    %reshape3A_100 = vector.shape_cast %div3A_99 : vector<2x3136x96xf32> to vector<6272x96xf32>
    %max3A = arith.constant 0.000000e+00 : f32
    %max3A_101 = vector.broadcast %max3A : f32 to vector<6272x96xf32>
    %max3A_102 = arith.maximumf %reshape3A_100, %max3A_101 : vector<6272x96xf32>
    %swap3A = arith.constant 0 : index
    %swap3A_103 = arith.constant 0 : index
    %swap3A_104 = vector.load %arg6[%swap3A, %swap3A_103] : memref<6272x96xf32, #tpu.memory_space<vmem>>, vector<6272x96xf32>
    tpu.vector_store %arg6[%swap3A, %swap3A_103], %max3A_102 {strides = array<i32>} : memref<6272x96xf32, #tpu.memory_space<vmem>>, vector<6272x96xf32>,
    return
  }
}

module attributes {stable_mosaic.version = 14 : i64} {
  func.func @_ffn_body(%arg0: memref<6272x96xf32, #tpu.memory_space<vmem>>, %arg1: memref<96x384xf32, #tpu.memory_space<vmem>>, %arg2: memref<1x384xf32, #tpu.memory_space<vmem>>, %arg3: memref<384x96xf32, #tpu.memory_space<vmem>>, %arg4: memref<1x96xf32, #tpu.memory_space<vmem>>, %arg5: memref<6272x96xf32, #tpu.memory_space<vmem>>, %arg6: memref<6272x96xf32, #tpu.memory_space<vmem>>) attributes {dimension_semantics = [], scalar_prefetch = 0 : i64, scratch_operands = 0 : i64, tpu.core_type = #tpu.core_type<tc>} {
    %get3A = arith.constant 0 : index
    %get3A_0 = arith.constant 0 : index
    %get3A_1 = vector.load %arg0[%get3A, %get3A_0] : memref<6272x96xf32, #tpu.memory_space<vmem>>, vector<6272x96xf32>
    %get3A_2 = arith.constant 0 : index
    %get3A_3 = arith.constant 0 : index
    %get3A_4 = vector.load %arg1[%get3A_2, %get3A_3] : memref<96x384xf32, #tpu.memory_space<vmem>>, vector<96x384xf32>
    %convert_element_type3A = arith.truncf %get3A_1 : vector<6272x96xf32> to vector<6272x96xbf16>
    %convert_element_type3A_5 = arith.truncf %get3A_4 : vector<96x384xf32> to vector<96x384xbf16>
    %dot_general3A = arith.constant dense<0.000000e+00> : vector<6272x384xf32>
    %dot_general3A_6 = tpu.matmul %convert_element_type3A, %convert_element_type3A_5, %dot_general3A {dimension_numbers = #tpu.dot_dimension_numbers<[1], [0], [0], [1], [0, 0, 1, 1], [], []>, transpose_lhs_hint = false} : vector<6272x96xbf16>, vector<96x384xbf16>, vector<6272x384xf32> -> vector<6272x384xf32>
    %get3A_7 = arith.constant 0 : index
    %get3A_8 = arith.constant 0 : index
    %get3A_9 = vector.load %arg2[%get3A_7, %get3A_8] : memref<1x384xf32, #tpu.memory_space<vmem>>, vector<1x384xf32>
    %add3A = vector.broadcast %get3A_9 : vector<1x384xf32> to vector<6272x384xf32>
    %add3A_10 = arith.addf %dot_general3A_6, %add3A : vector<6272x384xf32>
    %reshape3A = vector.shape_cast %add3A_10 : vector<6272x384xf32> to vector<2x3136x384xf32>
    %reduce_sum3A = arith.constant dense<0.000000e+00> : vector<2x384xf32>
    %reduce_sum3A_11 = vector.multi_reduction <add>, %reshape3A, %reduce_sum3A [1] : vector<2x3136x384xf32> to vector<2x384xf32>
    %broadcast_in_dim3A = vector.shape_cast %reduce_sum3A_11 : vector<2x384xf32> to vector<2x1x384xf32>
    %div3A = arith.constant 3.136000e+03 : f32
    %div3A_12 = vector.broadcast %div3A : f32 to vector<2x1x384xf32>
    %div3A_13 = arith.divf %broadcast_in_dim3A, %div3A_12 : vector<2x1x384xf32>
    %sub3A = vector.broadcast %div3A_13 : vector<2x1x384xf32> to vector<2x3136x384xf32>
    %sub3A_14 = arith.subf %reshape3A, %sub3A : vector<2x3136x384xf32>
    %integer_pow3A = arith.mulf %sub3A_14, %sub3A_14 : vector<2x3136x384xf32>
    %reduce_sum3A_15 = arith.constant dense<0.000000e+00> : vector<2x384xf32>
    %reduce_sum3A_16 = vector.multi_reduction <add>, %integer_pow3A, %reduce_sum3A_15 [1] : vector<2x3136x384xf32> to vector<2x384xf32>
    %broadcast_in_dim3A_17 = vector.shape_cast %reduce_sum3A_16 : vector<2x384xf32> to vector<2x1x384xf32>
    %div3A_18 = arith.constant 3.136000e+03 : f32
    %div3A_19 = vector.broadcast %div3A_18 : f32 to vector<2x1x384xf32>
    %div3A_20 = arith.divf %broadcast_in_dim3A_17, %div3A_19 : vector<2x1x384xf32>
    %sub3A_21 = vector.broadcast %div3A_13 : vector<2x1x384xf32> to vector<2x3136x384xf32>
    %sub3A_22 = arith.subf %reshape3A, %sub3A_21 : vector<2x3136x384xf32>
    %add3A_23 = arith.constant 9.99999974E-6 : f32
    %add3A_24 = vector.broadcast %add3A_23 : f32 to vector<2x1x384xf32>
    %add3A_25 = arith.addf %div3A_20, %add3A_24 : vector<2x1x384xf32>
    %sqrt3A = math.sqrt %add3A_25 : vector<2x1x384xf32>
    %div3A_26 = vector.broadcast %sqrt3A : vector<2x1x384xf32> to vector<2x3136x384xf32>
    %div3A_27 = arith.divf %sub3A_22, %div3A_26 : vector<2x3136x384xf32>
    %reshape3A_28 = vector.shape_cast %div3A_27 : vector<2x3136x384xf32> to vector<6272x384xf32>
    %mul3A = arith.constant 5.000000e-01 : f32
    %mul3A_29 = vector.broadcast %mul3A : f32 to vector<6272x384xf32>
    %mul3A_30 = arith.mulf %mul3A_29, %reshape3A_28 : vector<6272x384xf32>
    %mul3A_31 = arith.constant 0.707106769 : f32
    %mul3A_32 = vector.broadcast %mul3A_31 : f32 to vector<6272x384xf32>
    %mul3A_33 = arith.mulf %reshape3A_28, %mul3A_32 : vector<6272x384xf32>
    %erf3A = math.erf %mul3A_33 : vector<6272x384xf32>
    %add3A_34 = arith.constant 1.000000e+00 : f32
    %add3A_35 = vector.broadcast %add3A_34 : f32 to vector<6272x384xf32>
    %add3A_36 = arith.addf %add3A_35, %erf3A : vector<6272x384xf32>
    %mul3A_37 = arith.mulf %mul3A_30, %add3A_36 : vector<6272x384xf32>
    %get3A_38 = arith.constant 0 : index
    %get3A_39 = arith.constant 0 : index
    %get3A_40 = vector.load %arg3[%get3A_38, %get3A_39] : memref<384x96xf32, #tpu.memory_space<vmem>>, vector<384x96xf32>
    %convert_element_type3A_41 = arith.truncf %mul3A_37 : vector<6272x384xf32> to vector<6272x384xbf16>
    %convert_element_type3A_42 = arith.truncf %get3A_40 : vector<384x96xf32> to vector<384x96xbf16>
    %dot_general3A_43 = arith.constant dense<0.000000e+00> : vector<6272x96xf32>
    %dot_general3A_44 = tpu.matmul %convert_element_type3A_41, %convert_element_type3A_42, %dot_general3A_43 {dimension_numbers = #tpu.dot_dimension_numbers<[1], [0], [0], [1], [0, 0, 1, 1], [], []>, transpose_lhs_hint = false} : vector<6272x384xbf16>, vector<384x96xbf16>, vector<6272x96xf32> -> vector<6272x96xf32>
    %get3A_45 = arith.constant 0 : index
    %get3A_46 = arith.constant 0 : index
    %get3A_47 = vector.load %arg4[%get3A_45, %get3A_46] : memref<1x96xf32, #tpu.memory_space<vmem>>, vector<1x96xf32>
    %add3A_48 = vector.broadcast %get3A_47 : vector<1x96xf32> to vector<6272x96xf32>
    %add3A_49 = arith.addf %dot_general3A_44, %add3A_48 : vector<6272x96xf32>
    %reshape3A_50 = vector.shape_cast %add3A_49 : vector<6272x96xf32> to vector<2x3136x96xf32>
    %reduce_sum3A_51 = arith.constant dense<0.000000e+00> : vector<2x96xf32>
    %reduce_sum3A_52 = vector.multi_reduction <add>, %reshape3A_50, %reduce_sum3A_51 [1] : vector<2x3136x96xf32> to vector<2x96xf32>
    %broadcast_in_dim3A_53 = vector.shape_cast %reduce_sum3A_52 : vector<2x96xf32> to vector<2x1x96xf32>
    %div3A_54 = arith.constant 3.136000e+03 : f32
    %div3A_55 = vector.broadcast %div3A_54 : f32 to vector<2x1x96xf32>
    %div3A_56 = arith.divf %broadcast_in_dim3A_53, %div3A_55 : vector<2x1x96xf32>
    %sub3A_57 = vector.broadcast %div3A_56 : vector<2x1x96xf32> to vector<2x3136x96xf32>
    %sub3A_58 = arith.subf %reshape3A_50, %sub3A_57 : vector<2x3136x96xf32>
    %integer_pow3A_59 = arith.mulf %sub3A_58, %sub3A_58 : vector<2x3136x96xf32>
    %reduce_sum3A_60 = arith.constant dense<0.000000e+00> : vector<2x96xf32>
    %reduce_sum3A_61 = vector.multi_reduction <add>, %integer_pow3A_59, %reduce_sum3A_60 [1] : vector<2x3136x96xf32> to vector<2x96xf32>
    %broadcast_in_dim3A_62 = vector.shape_cast %reduce_sum3A_61 : vector<2x96xf32> to vector<2x1x96xf32>
    %div3A_63 = arith.constant 3.136000e+03 : f32
    %div3A_64 = vector.broadcast %div3A_63 : f32 to vector<2x1x96xf32>
    %div3A_65 = arith.divf %broadcast_in_dim3A_62, %div3A_64 : vector<2x1x96xf32>
    %sub3A_66 = vector.broadcast %div3A_56 : vector<2x1x96xf32> to vector<2x3136x96xf32>
    %sub3A_67 = arith.subf %reshape3A_50, %sub3A_66 : vector<2x3136x96xf32>
    %add3A_68 = arith.constant 9.99999974E-6 : f32
    %add3A_69 = vector.broadcast %add3A_68 : f32 to vector<2x1x96xf32>
    %add3A_70 = arith.addf %div3A_65, %add3A_69 : vector<2x1x96xf32>
    %sqrt3A_71 = math.sqrt %add3A_70 : vector<2x1x96xf32>
    %div3A_72 = vector.broadcast %sqrt3A_71 : vector<2x1x96xf32> to vector<2x3136x96xf32>
    %div3A_73 = arith.divf %sub3A_67, %div3A_72 : vector<2x3136x96xf32>
    %reshape3A_74 = vector.shape_cast %div3A_73 : vector<2x3136x96xf32> to vector<6272x96xf32>
    %add3A_75 = arith.addf %reshape3A_74, %get3A_1 : vector<6272x96xf32>
    %reshape3A_76 = vector.shape_cast %add3A_75 : vector<6272x96xf32> to vector<2x3136x96xf32>
    %reduce_sum3A_77 = arith.constant dense<0.000000e+00> : vector<2x96xf32>
    %reduce_sum3A_78 = vector.multi_reduction <add>, %reshape3A_76, %reduce_sum3A_77 [1] : vector<2x3136x96xf32> to vector<2x96xf32>
    %broadcast_in_dim3A_79 = vector.shape_cast %reduce_sum3A_78 : vector<2x96xf32> to vector<2x1x96xf32>
    %div3A_80 = arith.constant 3.136000e+03 : f32
    %div3A_81 = vector.broadcast %div3A_80 : f32 to vector<2x1x96xf32>
    %div3A_82 = arith.divf %broadcast_in_dim3A_79, %div3A_81 : vector<2x1x96xf32>
    %sub3A_83 = vector.broadcast %div3A_82 : vector<2x1x96xf32> to vector<2x3136x96xf32>
    %sub3A_84 = arith.subf %reshape3A_76, %sub3A_83 : vector<2x3136x96xf32>
    %integer_pow3A_85 = arith.mulf %sub3A_84, %sub3A_84 : vector<2x3136x96xf32>
    %reduce_sum3A_86 = arith.constant dense<0.000000e+00> : vector<2x96xf32>
    %reduce_sum3A_87 = vector.multi_reduction <add>, %integer_pow3A_85, %reduce_sum3A_86 [1] : vector<2x3136x96xf32> to vector<2x96xf32>
    %broadcast_in_dim3A_88 = vector.shape_cast %reduce_sum3A_87 : vector<2x96xf32> to vector<2x1x96xf32>
    %div3A_89 = arith.constant 3.136000e+03 : f32
    %div3A_90 = vector.broadcast %div3A_89 : f32 to vector<2x1x96xf32>
    %div3A_91 = arith.divf %broadcast_in_dim3A_88, %div3A_90 : vector<2x1x96xf32>
    %sub3A_92 = vector.broadcast %div3A_82 : vector<2x1x96xf32> to vector<2x3136x96xf32>
    %sub3A_93 = arith.subf %reshape3A_76, %sub3A_92 : vector<2x3136x96xf32>
    %add3A_94 = arith.constant 9.99999974E-6 : f32
    %add3A_95 = vector.broadcast %add3A_94 : f32 to vector<2x1x96xf32>
    %add3A_96 = arith.addf %div3A_91, %add3A_95 : vector<2x1x96xf32>
    %sqrt3A_97 = math.sqrt %add3A_96 : vector<2x1x96xf32>
    %div3A_98 = vector.broadcast %sqrt3A_97 : vector<2x1x96xf32> to vector<2x3136x96xf32>
    %div3A_99 = arith.divf %sub3A_93, %div3A_98 : vector<2x3136x96xf32>
    %reshape3A_100 = vector.shape_cast %div3A_99 : vector<2x3136x96xf32> to vector<6272x96xf32>
    %get3A_101 = arith.constant 0 : index
    %get3A_102 = arith.constant 0 : index
    %get3A_103 = vector.load %arg5[%get3A_101, %get3A_102] : memref<6272x96xf32, #tpu.memory_space<vmem>>, vector<6272x96xf32>
    %add3A_104 = arith.addf %get3A_103, %reshape3A_100 : vector<6272x96xf32>
    %swap3A = arith.constant 0 : index
    %swap3A_105 = arith.constant 0 : index
    %swap3A_106 = vector.load %arg6[%swap3A, %swap3A_105] : memref<6272x96xf32, #tpu.memory_space<vmem>>, vector<6272x96xf32>
    tpu.vector_store %arg6[%swap3A, %swap3A_105], %add3A_104 {strides = array<i32>} : memref<6272x96xf32, #tpu.memory_space<vmem>>, vector<6272x96xf32>,
    return
  }
}

</mosaic_0001>

<sc_bundles>
// kernel: kernel.14.cloned.1.call-start
scs
__scs_entry_jumppad:
0x0: {  	(pc) =	sbr.rel $0x88, $3  }
0x1: {  	(tag) =	ssettag $0x0;
	lr =	simm.s32 $0x1  }
0x2: {  	[smem:$0x3F82] =	sst lr;
	_ =	strace $0xD0000000  }
0x3: {  	_ = 	snop  }
0x4: {  	_ = 	snop  }
0x5: {  	_ = 	snop  }
0x6: {  	_ = 	snop  }
0x7: {  	_ = 	snop  }
__scs_overlays_trampoline_lowered:
0x8: {  	[smem:$0x3F91] =	sst s0  }
0x9: {  	[smem:$0x3F92] =	sst s1  }
0xa: {  	[smem:$0x3F93] =	sst s2  }
0xb: {  	[smem:$0x3F94] =	sst s3  }
0xc: {  	[smem:$0x3F95] =	sst s4  }
0xd: {  	[smem:$0x3F96] =	sst s5  }
0xe: {  	[smem:$0x3F97] =	sst s6  }
0xf: {  	[smem:$0x3F98] =	sst s7  }
0x10: {  	[smem:$0x3F99] =	sst s8  }
0x11: {  	[smem:$0x3F9A] =	sst s9;
	s0 =	simm.s32 @!p0 $0x0  }
0x12: {  	s1 =	sld [smem:$0x3F80];
	s0 =	simm.s32 @p0 $0x1  }
0x13: {  	[smem:$0x3F9B] =	sst s0;
	s0 =	simm.s32 @!p1 $0x0  }
0x14: {  	s2 =	sld [smem:$0x3F7F];
	s0 =	simm.s32 @p1 $0x1  }
0x15: {  	[smem:$0x3F9C] =	sst s0;
	s0 =	simm.s32 @!p2 $0x0  }
0x16: {  	s3 =	sld [smem:$0x3FDB];
	s0 =	simm.s32 @p2 $0x1  }
0x17: {  	s4 =	simm.s32 $0x1BF5;
	[smem:$0x3F9E] =	sst s0  }
0x18: {  	s0 =	sld [smem:$0x3F81];
	_ =	swait.ge [sflag:s4], $0x0  }
0x19: {  	s7 =	sld [smem:$0x3F82]  }
0x1a: {  	s8 =	sadd.s32 $0xFFFFE003, lr  }
0x1b: {  	s9 =	sadd.s32 $0xFFFFFEF7, lr;
	s5 =	simm.s32 $0xFFFFFFFF;
	p2 =	slt.u32 s8, $0xFFFFF086  }
0x1c: {  	p1 =	slt.u32 s9, $0xF7A;
	s5 =	simm.s32 @!p2 $0x0  }
0x1d: {  	s5 =	simm.s32 @p1 $0x1;
	p0 =	seq.s32 s7, s2  }
0x1e: {  	s7 =	smul.u32 @!p0 $0xF7A, s2;
	p2 =	seq.s32 @!p0 s5, $0x0  }
0x1f: {  	s9 =	smul.u32 $0xF7A, s1;
	s8 =	simm.s32 @!p0 $0x1BF5;
	p2 =	por !p2, p0  }
0x20: {  	[sflag:s8] =	ssyncset.s32 @!p0 $0xFFFFF086;
	s6 =	sadd.s32 @!p0 s3, s7;
	s7 =	simm.s32 @!p0 $0x108  }
0x21: {  	s3 =	sadd.s32 s3, s9;
	s6 =	sadd.s32 @!p0 $0x88, s6;
	s7 =	simm.s32 @p2 $0x1082  }
0x22: {  	[simem:s7], [sflag:s8] =	dma.local @!p0 [hbm:s6], $0xF7A  }
0x23: {  	s9 =	sor.u32 $0xD0000000, s2;
	s6 =	simm.s32 $0x108;
	_ =	swait.ge @!p0 [sflag:s8], $0x0  }
0x24: {  	s3 =	sadd.s32 $0x88, s3;
	s6 =	simm.s32 @!p1 $0x1082;
	[sflag:s4] =	ssyncset.s32 $0xFFFFF086  }
0x25: {  	[simem:s6], [sflag:s4] =	dma.local [hbm:s3], $0xF7A  }
0x26: {  	[smem:$0x3F82] =	sst s1;
	(tag) =	ssettag s2;
	_ =	strace s9  }
0x27: {  	s1 =	sld [smem:$0x3F92]  }
0x28: {  	s2 =	sld [smem:$0x3F93]  }
0x29: {  	s4 =	sld [smem:$0x3F95]  }
0x2a: {  	p0 =	seq.s32 s5, $0x0;
	s5 =	sld [smem:$0x3F96]  }
0x2b: {  	s6 =	sld [smem:$0x3F97]  }
0x2c: {  	s7 =	sld [smem:$0x3F98]  }
0x2d: {  	s3 =	simm.s32 $0x108;
	s8 =	sld [smem:$0x3F99]  }
0x2e: {  	s3 =	simm.s32 @!p0 $0x1082;
	s9 =	sld [smem:$0x3F9A]  }
0x2f: {  	lr =	sadd.s32 s0, s3;
	s0 =	sld [smem:$0x3F91]  }
0x30: {  	s3 =	sld [smem:$0x3F94]  }
0x31: {  	[smem:$0x3F9D] =	sst s10  }
0x32: {  	s10 =	sld [smem:$0x3F9B];
	_ =	sdelay $0x3  }
0x33: {  	p0 =	seq.s32 s10, $0x1;
	s10 =	sld [smem:$0x3F9D];
	_ =	sdelay $0x3  }
0x34: {  	[smem:$0x3F9D] =	sst s10  }
0x35: {  	s10 =	sld [smem:$0x3F9C];
	_ =	sdelay $0x3  }
0x36: {  	p1 =	seq.s32 s10, $0x1;
	s10 =	sld [smem:$0x3F9D];
	_ =	sdelay $0x3  }
0x37: {  	[smem:$0x3F9D] =	sst s10  }
0x38: {  	s10 =	sld [smem:$0x3F9E]  }
0x39: {  	_ = 	snop;
	(pc) =	sbr.ind lr, $3  }
0x3a: {  	_ = 	snop  }
0x3b: {  	_ = 	snop  }
0x3c: {  	p2 =	seq.s32 s10, $0x1;
	s10 =	sld [smem:$0x3F9D]  }
0x3d: {  	_ =	shalt  }
0x3e: {  	_ =	shalt  }
0x3f: {  	_ =	shalt  }
0x40: {  	_ =	shalt  }
0x41: {  	_ =	shalt  }
0x42: {  	_ =	shalt  }
0x43: {  	_ =	shalt  }
0x44: {  	_ =	shalt  }
0x45: {  	_ =	shalt  }
0x46: {  	_ =	shalt  }
0x47: {  	_ =	shalt  }
0x48: {  	_ =	shalt  }
0x49: {  	_ =	shalt  }
0x4a: {  	_ =	shalt  }
0x4b: {  	_ =	shalt  }
0x4c: {  	_ =	shalt  }
0x4d: {  	_ =	shalt  }
0x4e: {  	_ =	shalt  }
0x4f: {  	_ =	shalt  }
0x50: {  	_ =	shalt  }
0x51: {  	_ =	shalt  }
0x52: {  	_ =	shalt  }
0x53: {  	_ =	shalt  }
0x54: {  	_ =	shalt  }
0x55: {  	_ =	shalt  }
0x56: {  	_ =	shalt  }
0x57: {  	_ =	shalt  }
0x58: {  	_ =	shalt  }
0x59: {  	_ =	shalt  }
0x5a: {  	_ =	shalt  }
0x5b: {  	_ =	shalt  }
0x5c: {  	_ =	shalt  }
0x5d: {  	_ =	shalt  }
0x5e: {  	_ =	shalt  }
0x5f: {  	_ =	shalt  }
0x60: {  	_ =	shalt  }
0x61: {  	_ =	shalt  }
0x62: {  	_ =	shalt  }
0x63: {  	_ =	shalt  }
0x64: {  	_ =	shalt  }
0x65: {  	_ =	shalt  }
0x66: {  	_ =	shalt  }
0x67: {  	_ =	shalt  }
0x68: {  	_ =	shalt  }
0x69: {  	_ =	shalt  }
0x6a: {  	_ =	shalt  }
0x6b: {  	_ =	shalt  }
0x6c: {  	_ =	shalt  }
0x6d: {  	_ =	shalt  }
0x6e: {  	_ =	shalt  }
0x6f: {  	_ =	shalt  }
0x70: {  	_ =	shalt  }
0x71: {  	_ =	shalt  }
0x72: {  	_ =	shalt  }
0x73: {  	_ =	shalt  }
0x74: {  	_ =	shalt  }
0x75: {  	_ =	shalt  }
0x76: {  	_ =	shalt  }
0x77: {  	_ =	shalt  }
0x78: {  	_ =	shalt  }
0x79: {  	_ =	shalt  }
0x7a: {  	_ =	shalt  }
0x7b: {  	_ =	shalt  }
0x7c: {  	_ =	shalt  }
0x7d: {  	_ =	shalt  }
0x7e: {  	_ =	shalt  }
0x7f: {  	_ =	shalt  }
0x80: {  	_ =	shalt  }
0x81: {  	_ =	shalt  }
0x82: {  	_ =	shalt  }
0x83: {  	_ =	shalt  }
0x84: {  	_ =	shalt  }
0x85: {  	_ =	shalt  }
0x86: {  	_ =	shalt  }
0x87: {  	_ =	shalt  }
.Lfunc_end0:
.L_simem_size_0:
called_computation_lowered:
.L_overlay_start_0:
0x88: {  	s2 =	sld [smem:$0x3FD9]  }
0x89: {  	s3 =	sld [smem:$0x3FFE];
	_ =	sdelay $0x1  }
0x8a: {  	s1 =	srdreg.scid  }
0x8b: {  	s0 =	sand.u32 $0x1, s1  }
0x8c: {  	s17 =	sshll.u32 s0, $0xA;
	s2 =	sadd.s32 s3, s2  }
0x8d: {  	s2 =	sadd.s32 s2, s17  }
0x8e: {  	[smem:$0x3FA9] =	sst s2  }
0x8f: {  	_ = 	snop  }
0x90: {  	s2 =	sld [smem:$0x3FD0];
	(tm) =	ssettm $0x1  }
0x91: {  	s18 =	sld [smem:$0x3FFB];
	_ =	sdelay $0x3  }
0x92: {  	_ =	strace s18  }
0x93: {  	s3 =	sld [smem:$0x3FFC];
	_ =	sdelay $0x3  }
0x94: {  	_ =	strace s3  }
0x95: {  	s3 =	sld [smem:$0x3FFD];
	_ =	sdelay $0x3  }
0x96: {  	_ =	strace s3  }
0x97: {  	_ =	strace $0x8FFFFFFF  }
0x98: {  	s19 =	sld [smem:$0x3FDB];
	_ =	sdelay $0x1  }
0x99: {  	s4 =	simm.s32 $_scs_section_size  }
0x9a: {  	s5 =	simm.s32 $_size__tile_overlayer_lowered;
	s6 =	simm.s32 $_tile_overlayer_lowered  }
0x9b: {  	s22 =	simm.s32 $0x1BFF;
	s21 =	sshll.u32 s6, $0x1;
	s3 =	sadd.s32 s4, s19  }
0x9c: {  	s7 =	simm.s32 $0x0;
	s20 =	sshll.u32 s5, $0x1;
	s5 =	sadd.s32 s21, s3  }
0x9d: {  	[timem:s7], [sflag:s22] =	dma.local [hbm:s5], s20  }
0x9e: {  	_ =	swait.ge [sflag:s22], s20  }
0x9f: {  	s4 =	ssub.s32 $0x0, s20;
	[sflag:s22] =	ssyncset.done $0x0  }
0xa0: {  	[sflag:s22] =	ssyncadd.s32 s4;
	_ =	sdelay $0x1  }
0xa1: {  	s23 =	simm.s32 $0x1B8B  }
0xa2: {  	_ =	swait.ge [sflag:s23], $0x1  }
0xa3: {  	[sflag:s23] =	ssyncset.done $0x0  }
0xa4: {  	s25 =	simm.s32 $0x1B8E;
	s24 =	sld [smem:$0x3FFE];
	[sflag:s23] =	ssyncadd.s32 $0xFFFFFFFF  }
0xa5: {  	s26 =	simm.s32 $execute0_lowered;
	[smem:$0x3FD2] =	sst s25  }
0xa6: {  	s5 =	sshll.u32 s26, $0x1;
	_ =	strace $0x80000046;
	[dreg:$0x1] =	wrdreg $0xFFFFFFFF  }
0xa7: {  	s28 =	simm.s32 $_size_execute0_lowered;
	s3 =	sadd.s32 s3, s5;
	[dreg:$0x0] =	wrdreg $0x0  }
0xa8: {  	s5 =	sshll.u32 s28, $0x1;
	[dreg:$0x2] =	wrdreg s3  }
0xa9: {  	[dreg:$0x3] =	wrdreg s5  }
0xaa: {  	[dreg:$0x4] =	wrdreg $0xC0  }
0xab: {  	_ =	task [dreg:s7], $0x5FFFF  }
0xac: {  	[dreg:$0x1] =	wrdreg $0xFFFFFFFF  }
0xad: {  	[dreg:$0x0] =	wrdreg $0x60  }
0xae: {  	[dreg:$0x2] =	wrdreg s2  }
0xaf: {  	[dreg:$0x3] =	wrdreg s24  }
0xb0: {  	[dreg:$0x4] =	wrdreg $0x9  }
0xb1: {  	_ =	task.clear_ibuf [dreg:s7], $0x5FFFF;
	_ =	strace $0x90000046  }
0xb2: {  	s29 =	simm.s32 $0x9;
	_ =	strace $0x8000004F  }
0xb3: {  	_ =	swait.ge [sflag:s29], $0x1  }
0xb4: {  	[sflag:s29] =	ssyncadd.s32 $0xFFFFFFFF  }
0xb5: {  	_ =	strace $0x9000004F  }
0xb6: {  	_ =	sfence  }
0xb7: {  	s30 =	sld [smem:$0x0];
	_ =	sdelay $0x2  }
0xb8: {  	s31 =	sshll.u32 s1, $0xD;
	s1 =	sshrl.u32 s1, $0x2  }
0xb9: {  	s3 =	sand.u32 $0x4000, s31;
	s1 =	sadd.s32 s1, s30  }
0xba: {  	s0 =	sor.u32 s3, s0;
	s1 =	sshll.u32 s1, $0x11  }
0xbb: {  	s0 =	sor.u32 s1, s0  }
0xbc: {  	s0 =	sadd.s32 $0x8F2B, s0  }
0xbd: {  	[sflag:s0] =	ssyncadd.remote.s32 $0x1  }
0xbe: {  	_ =	sfence.sel $0xFFFF  }
0xbf: {  	[dreg:$0x0] =	wrdreg $0xFFFFFFFF;
	(pc) =	sbr.abs _section_cstart, $3  }
0xc0: {  	[dreg:$0x1] =	wrdreg $0xFFFFFFFF  }
0xc1: {  	_ =	task.clear_ibuf [dreg:s7], $0x2FFFF;
	_ =	strace $0x9FFFFFFF  }
0xc2: {  	(tm) =	ssettm $0x7FFFFFFF  }
0xc3: {  	_ =	shalt  }
tec
execute0_lowered:
.L_overlay_start_1:
0x0: {  	(tag) =	ssettag $0x1  }
0x1: {  	s0 =	rddreg [dreg:$0x0]  }
0x2: {  	s3 =	rddreg [dreg:$0x1];
	s1 =	srdreg.scid;
	s2 =	simm.s32 $0x0  }
0x3: {  	s31 =	simm.s32 $0x80;
	s9 =	simm.s32 $0x4;
	[dreg:$0x3] =	wrdreg s0  }
0x4: {  	s10 =	simm.s32 $0x0;
	s0 =	rddreg [dreg:$0x2];
	s4 =	sand.u32 $0x1, s1  }
0x5: {  	[smem:$0x7FF] =	sst s2;
	s1 =	stileid.u32;
	s6 =	sadd.s32 $0x6E00, s3  }
0x6: {  	s3 =	sadd.s32 $0x5200, s3;
	s5 =	sshll.u32 s4, $0x4;
	_ =	strace $0x80000047  }
0x7: {  	s4 =	ssub.s32 $0x2, s4;
	[dreg:$0x5] =	wrdreg s6;
	s5 =	sor.u32 s1, s5  }
0x8: {  	[dreg:$0x4] =	wrdreg s31;
	s7 =	sshrl.u32 s4, $0x1;
	s8 =	smul.u32 $0xE0, s5  }
0x9: {  	s30 =	ssub.s32 s4, s7;
	s4 =	smul.u32 $0xE, s5;
	s7 =	simm.s32 $0x1  }
0xa: {  	s6 =	smax.u32 s30, $0x1;
	s5 =	sadd.s32 s3, s8;
	s8 =	simm.s32 $0x5  }
.LBB2_1:
0xb: {  	_ =	strace $0x80000048;
	s11 =	simm.s32 $0x1;
	p0 =	por $0x0, $0x0  }
0xc: {  	[tilespmem:s2], [sflag:$0x1] =	stream.linear.gather [hbm4b:s5+s2], $0x80, $0x200038;
	[tilespmem:$0x8100] =	vst v63  }
0xd: {  	s11 =	simm.s32 @p0 $0x0  }
0xe: {  	p4 =	por $0x1, $0x1;
	s20 =	sand.u32 $0x1, s2;
	p1 =	sne.s32 s11, $0x0  }
0xf: {  	p2 =	por $0x1, $0x1;
	s18 =	simm.s32 $0xC;
	p0 =	por !p4, !p1  }
0x10: {  	s16 =	simm.s32 $0x0;
	p5 =	por $0x0, $0x0;
	p0 =	por !p0, !p0  }
0x11: {  	s23 =	sadd.s32 $0x0, s4;
	s30 =	sadd.s32 $0x1, s20;
	s12 =	sadd.s32 @p0 s4, s11  }
0x12: {  	_ =	strace $0x90000048;
	s13 =	sand.u32 @p0 $0x1, s7;
	s12 =	sshll.u32 @p0 s12, $0x4  }
0x13: {  	_ =	strace @p0 $0x80000049;
	s15 =	simm.s32 @p0 $0x0;
	s12 =	sand.u32 @p0 $0x1FFFFFF0, s12  }
0x14: {  	s14 =	sshll.u32 @p0 s13, $0x7;
	s13 =	sadd.s32 @p0 $0x1, s13;
	s12 =	sadd.s32 @p0 s3, s12  }
0x15: {  	[tilespmem:s14], [sflag:s13] =	stream.linear.gather @p0 [hbm4b:s12+s15], $0x80, $0x200038;
	[tilespmem:$0x8100] =	vst v63  }
0x16: {  	p3 =	por p2, p2;
	s21 =	sshll.u32 s20, $0xE;
	_ =	strace @p0 $0x90000049  }
0x17: {  	s16 =	sand.u32 $0x80, s16;
	p2 =	por p5, p5;
	_ =	strace $0x8000004A  }
0x18: {  	s17 =	sadd.s32 $0x1, s11;
	s22 =	sor.u32 $0x100, s21;
	_ =	swait.ge [sflag:s30], $0x80  }
0x19: {  	s21 =	simm.s32 $0x1;
	p6 =	por p1, p1;
	[sflag:s30] =	ssyncset.done $0x0  }
0x1a: {  	p1 =	por p3, p3;
	p4 =	por $0x1, $0x1;
	[sflag:s30] =	ssyncadd.s32 $0xFFFFFF80  }
0x1b: {  	s12 =	simm.s32 $0xD;
	s15 =	sand.u32 @!p3 $0x1, s2;
	_ =	strace $0x9000004A  }
0x1c: {  	s13 =	simm.s32 $0x1;
	p3 =	seq.s32 s17, $0xE;
	_ =	strace $0x8000004B  }
0x1d: {  	s13 =	simm.s32 @!p0 $0x0;
	s17 =	simm.s32 @p3 $0x0;
	s19 =	rddreg [dreg:$0x4]  }
0x1e: {  	p0 =	por $0x0, $0x0;
	s14 =	sadd.s32 $0x1, s13;
	s31 =	rddreg [dreg:$0x3]  }
0x1f: {  	[tilespmem:s22], [sflag:$0x5] =	stream.indirect.gather [hbm4b:s31+s19], $0x80, s16, s19, $0x2000b8;
	[tilespmem:$0x8100] =	vst v63  }
0x20: {  	p3 =	sne.s32 s11, s17;
	s21 =	simm.s32 @!p0 $0x0;
	_ =	swait.ge [sflag:s8], $0x4000  }
0x21: {  	p5 =	por !p4, !p3;
	p4 =	por $0x0, $0x0;
	[sflag:s8] =	ssyncset.done $0x0  }
0x22: {  	s13 =	simm.s32 $0x0;
	p6 =	por p4, p6;
	[sflag:s8] =	ssyncadd.s32 $0xFFFFC000  }
0x23: {  	s16 =	simm.s32 $0x0;
	s19 =	simm.s32 $0x0;
	_ =	strace $0x9000004B  }
.LBB2_2:
0x24: {  	_ =	strace @p6 $0x8000004C;
	s13 =	sadd.s32 s21, s13;
	s21 =	smov.u32 s12  }
0x25: {  	s12 =	smov.u32 s18;
	s18 =	sadd.s32 $0xFFFFFFFF, s18;
	p0 =	por p3, p3  }
0x26: {  	s28 =	sshll.u32 @p6 s23, $0xB;
	s20 =	sadd.s32 @p6 $0x3, s20;
	s24 =	simm.s32 @!p0 $0x0  }
0x27: {  	s25 =	rddreg [dreg:$0x5];
	s28 =	sand.u32 @p6 $0x1FFFF800, s28;
	s24 =	simm.s32 @p0 $0x1  }
0x28: {  	s25 =	sadd.s32 @p6 s25, s28;
	s28 =	simm.s32 @p6 $0x0;
	p0 =	sne.s32 s18, $0x0  }
0x29: {  	[hbm4b:s25+s28] =	stream.linear.scatter @p6 [tilespmem:s22], [sflag:s20], $0x4000, $0x200038;
	[tilespmem:$0x8100] =	vst v63  }
0x2a: {  	s20 =	sadd.s32 @!p1 $0x3, s15;
	s15 =	simm.s32 @!p0 $0x0  }
0x2b: {  	s26 =	simm.s32 $0x1;
	[smem:$0x7FC] =	sst s24;
	s15 =	simm.s32 @p0 $0x1  }
0x2c: {  	s26 =	simm.s32 @!p6 $0x0;
	_ =	strace @p6 $0x9000004C;
	[smem:$0x7FD] =	sst s15  }
0x2d: {  	p5 =	por !p5, !p5;
	s19 =	sadd.s32 s26, s19;
	_ =	strace @!p1 $0x8000004D  }
0x2e: {  	s24 =	sand.u32 @!p2 $0x1, s13;
	s22 =	sand.u32 @p5 $0x1, s14;
	_ =	swait.ge @!p1 [sflag:s20], $0x4000  }
0x2f: {  	s15 =	smov.u32 s24;
	s24 =	sadd.s32 @p5 s4, s17;
	[sflag:s20] =	ssyncset.done @!p1 $0x0  }
0x30: {  	s25 =	sshll.u32 @p5 s22, $0x7;
	s24 =	sshll.u32 @p5 s24, $0x4;
	[sflag:s20] =	ssyncadd.s32 @!p1 $0xFFFFC000  }
0x31: {  	s20 =	sadd.s32 @p5 $0x1, s22;
	s22 =	sand.u32 @p5 $0x1FFFFFF0, s24;
	_ =	strace @!p1 $0x9000004D  }
0x32: {  	s24 =	simm.s32 @p5 $0x0;
	s22 =	sadd.s32 @p5 s3, s22;
	_ =	strace @p5 $0x80000049  }
0x33: {  	[tilespmem:s25], [sflag:s20] =	stream.linear.gather @p5 [hbm4b:s22+s24], $0x80, $0x200038;
	[tilespmem:$0x8100] =	vst v63  }
0x34: {  	s16 =	sadd.s32 s26, s16;
	s26 =	sand.u32 $0x1, s19;
	_ =	strace @p5 $0x90000049  }
0x35: {  	s24 =	sadd.s32 $0x1, s26;
	_ =	strace $0x8000004A  }
0x36: {  	_ =	swait.ge [sflag:s24], $0x80  }
0x37: {  	[sflag:s24] =	ssyncset.done $0x0  }
0x38: {  	s20 =	simm.s32 $0x1;
	[sflag:s24] =	ssyncadd.s32 $0xFFFFFF80  }
0x39: {  	s20 =	simm.s32 @!p5 $0x0;
	_ =	strace $0x9000004A  }
0x3a: {  	s14 =	sadd.s32 s20, s14;
	s20 =	sand.u32 $0x1, s16;
	_ =	strace $0x8000004B  }
0x3b: {  	s29 =	sshll.u32 s19, $0x7;
	s25 =	sshll.u32 s20, $0xE;
	s26 =	rddreg [dreg:$0x4]  }
0x3c: {  	s29 =	sand.u32 $0x80, s29;
	s22 =	sor.u32 $0x100, s25;
	s30 =	rddreg [dreg:$0x3]  }
0x3d: {  	[tilespmem:s22], [sflag:$0x5] =	stream.indirect.gather [hbm4b:s30+s26], $0x80, s29, s26, $0x2000b8;
	[tilespmem:$0x8100] =	vst v63  }
0x3e: {  	_ =	swait.ge [sflag:s8], $0x4000  }
0x3f: {  	s31 =	sadd.s32 $0x1, s17;
	[sflag:s8] =	ssyncset.done $0x0  }
0x40: {  	s23 =	sadd.s32 s4, s11;
	s11 =	smov.u32 s17;
	[sflag:s8] =	ssyncadd.s32 $0xFFFFC000  }
0x41: {  	p3 =	seq.s32 s31, $0xE;
	s17 =	smov.u32 s31;
	_ =	strace $0x9000004B  }
0x42: {  	s17 =	simm.s32 @p3 $0x0;
	s31 =	sld [smem:$0x7FD]  }
0x43: {  	p6 =	sne.s32 s12, $0x1;
	p0 =	sne.s32 s21, $0xE;
	p3 =	sne.s32 s11, s17  }
0x44: {  	p5 =	por !p6, !p3;
	p6 =	seq.s32 s21, $0x1;
	s21 =	simm.s32 $0x1  }
0x45: {  	s21 =	simm.s32 @!p0 $0x0;
	p0 =	seq.s32 s31, $0x1  }
.Ltmp0:
0x46: {  	s30 =	sld [smem:$0x7FC];
	(pc) =	sbr.rel @p0 .LBB2_2-.Ltmp0, $4  }
0x47: {  	_ = 	snop  }
0x48: {  	p4 =	seq.s32 s12, $0xE  }
0x49: {  	p1 =	por p2, p2;
	p2 =	por p4, p4;
	p4 =	seq.s32 s30, $0x1  }
0x4a: {  	p6 =	por p6, p4  }
0x4b: {  	_ =	strace @p6 $0x8000004C;
	s23 =	sshll.u32 @p6 s23, $0xB  }
0x4c: {  	s18 =	rddreg [dreg:$0x5];
	s23 =	sand.u32 @p6 $0x1FFFF800, s23  }
0x4d: {  	s20 =	sadd.s32 @p6 $0x3, s20;
	s18 =	sadd.s32 @p6 s18, s23;
	s23 =	simm.s32 @p6 $0x0  }
0x4e: {  	[hbm4b:s18+s23] =	stream.linear.scatter @p6 [tilespmem:s22], [sflag:s20], $0x4000, $0x200038;
	[tilespmem:$0x8100] =	vst v63  }
0x4f: {  	p0 =	por !p5, !p5;
	_ =	strace @p6 $0x9000004C  }
0x50: {  	s15 =	sadd.s32 @!p1 $0x3, s15;
	s17 =	sadd.s32 @p0 s4, s17;
	_ =	strace @!p1 $0x8000004D  }
0x51: {  	s14 =	sand.u32 @p0 $0x1, s14;
	s17 =	sshll.u32 @p0 s17, $0x4;
	_ =	swait.ge @!p1 [sflag:s15], $0x4000  }
0x52: {  	s18 =	simm.s32 $0x1;
	s20 =	sshll.u32 @p0 s14, $0x7;
	[sflag:s15] =	ssyncset.done @!p1 $0x0  }
0x53: {  	s14 =	sadd.s32 @p0 $0x1, s14;
	s18 =	simm.s32 @!p6 $0x0;
	[sflag:s15] =	ssyncadd.s32 @!p1 $0xFFFFC000  }
0x54: {  	s19 =	sadd.s32 s18, s19;
	s15 =	sand.u32 @p0 $0x1FFFFFF0, s17;
	_ =	strace @!p1 $0x9000004D  }
0x55: {  	s17 =	simm.s32 @p0 $0x0;
	s15 =	sadd.s32 @p0 s3, s15;
	_ =	strace @p0 $0x80000049  }
0x56: {  	[tilespmem:s20], [sflag:s14] =	stream.linear.gather @p0 [hbm4b:s15+s17], $0x80, $0x200038;
	[tilespmem:$0x8100] =	vst v63  }
0x57: {  	s25 =	sand.u32 $0x1, s19;
	_ =	strace @p0 $0x90000049  }
0x58: {  	s14 =	sadd.s32 $0x1, s25;
	_ =	strace $0x8000004A  }
0x59: {  	_ =	swait.ge [sflag:s14], $0x80  }
0x5a: {  	[sflag:s14] =	ssyncset.done $0x0  }
0x5b: {  	[sflag:s14] =	ssyncadd.s32 $0xFFFFFF80  }
0x5c: {  	s26 =	sadd.s32 s18, s16;
	_ =	strace $0x9000004A  }
0x5d: {  	s14 =	sand.u32 $0x1, s26;
	_ =	strace $0x8000004B  }
0x5e: {  	s30 =	sshll.u32 s19, $0x7;
	s31 =	sshll.u32 s14, $0xE;
	s28 =	rddreg [dreg:$0x4]  }
0x5f: {  	s17 =	sand.u32 $0x80, s30;
	s18 =	sor.u32 $0x100, s31;
	s29 =	rddreg [dreg:$0x3]  }
0x60: {  	[tilespmem:s18], [sflag:$0x5] =	stream.indirect.gather [hbm4b:s29+s28], $0x80, s17, s28, $0x2000b8;
	[tilespmem:$0x8100] =	vst v63  }
0x61: {  	_ =	swait.ge [sflag:s8], $0x4000  }
0x62: {  	[sflag:s8] =	ssyncset.done $0x0  }
0x63: {  	p5 =	por p3, p3;
	p6 =	seq.s32 s12, $0x1;
	[sflag:s8] =	ssyncadd.s32 $0xFFFFC000  }
0x64: {  	s11 =	sadd.s32 s4, s11;
	p0 =	por p6, p5;
	_ =	strace $0x9000004B  }
0x65: {  	s11 =	sshll.u32 @p0 s11, $0xB;
	_ =	strace @p0 $0x8000004C  }
0x66: {  	s13 =	sadd.s32 s21, s13;
	s11 =	sand.u32 @p0 $0x1FFFF800, s11;
	s12 =	rddreg [dreg:$0x5]  }
0x67: {  	s14 =	sadd.s32 @p0 $0x3, s14;
	s11 =	sadd.s32 @p0 s12, s11;
	s12 =	simm.s32 @p0 $0x0  }
0x68: {  	[hbm4b:s11+s12] =	stream.linear.scatter @p0 [tilespmem:s18], [sflag:s14], $0x4000, $0x200038;
	[tilespmem:$0x8100] =	vst v63  }
0x69: {  	p1 =	por p2, p2;
	s11 =	sand.u32 @!p2 $0x1, s13;
	_ =	strace @p0 $0x9000004C  }
0x6a: {  	s11 =	sadd.s32 @!p1 $0x3, s11;
	_ =	strace @!p1 $0x8000004D  }
0x6b: {  	_ =	swait.ge @!p1 [sflag:s11], $0x4000  }
0x6c: {  	[sflag:s11] =	ssyncset.done @!p1 $0x0  }
0x6d: {  	s10 =	sadd.s32 $0x1, s10;
	[sflag:s11] =	ssyncadd.s32 @!p1 $0xFFFFC000  }
0x6e: {  	p0 =	sne.s32 s10, s6;
	_ =	strace @!p1 $0x9000004D  }
.Ltmp1:
0x6f: {  	_ =	strace $0x8000004E;
	(pc) =	sbr.rel @p0 .LBB2_1-.Ltmp1, $4  }
0x70: {  	_ =	swait.ge [sflag:s9], $0x4000  }
0x71: {  	[sflag:s9] =	ssyncset.done $0x0  }
0x72: {  	[sflag:s9] =	ssyncadd.s32 $0xFFFFC000  }
0x73: {  	_ =	strace $0x9000004E  }
0x74: {  	_ =	sfence.sel $0x180000  }
0x75: {  	[bflag:$0x0] =	sbarrier.arrive $0xFFFF  }
0x76: {  	p0 =	sne.s32 s1, $0x0;
	_ =	strace $0x90000047  }
0x77: {  	s0 =	sadd.s32 @!p0 $0x100000, s0;
	[bflag:$0x2] =	sbarrier.arrive $0xFFFF  }
0x78: {  	[sflag:s0] =	ssyncadd.tile.s32 @!p0 $0x1;
	_ =	shalt  }
.Lfunc_end2:
_tile_overlayer_lowered:
.L_overlay_start_2:
0x79: {  	(tag) =	ssettag $0x2  }
0x7a: {  	s0 =	rddreg [dreg:$0x0];
	s2 =	stileid.u32  }
0x7b: {  	s1 =	rddreg [dreg:$0x1];
	p0 =	sne.s32 s2, $0x0  }
0x7c: {  	s3 =	rddreg [dreg:$0x2];
	[bflag:$0x3] =	sbarrier.arrive $0xFFFF;
	s2 =	simm.s32 @!p0 $0x1C01  }
0x7d: {  	[timem:s3], [sflag:s2] =	dma.local @!p0 [hbm:s0], s1  }
0x7e: {  	s0 =	simm.s32 @!p0 $0x1  }
0x7f: {  	_ =	swait.ge @!p0 [sflag:s0], s1  }
0x80: {  	s1 =	ssub.s32 @!p0 $0x0, s1;
	[sflag:s0] =	ssyncset.done @!p0 $0x0  }
0x81: {  	[sflag:s0] =	ssyncadd.s32 @!p0 s1  }
0x82: {  	[bflag:$0x3] =	sbarrier.arrive $0xFFFF  }
0x83: {  	_ =	shalt  }

// kernel: kernel.17.cloned.1.call-start
scs
__scs_entry_jumppad:
0x0: {  	(pc) =	sbr.rel $0x88, $3  }
0x1: {  	(tag) =	ssettag $0x0;
	lr =	simm.s32 $0x1  }
0x2: {  	[smem:$0x3F82] =	sst lr;
	_ =	strace $0xD0000000  }
0x3: {  	_ = 	snop  }
0x4: {  	_ = 	snop  }
0x5: {  	_ = 	snop  }
0x6: {  	_ = 	snop  }
0x7: {  	_ = 	snop  }
__scs_overlays_trampoline_lowered:
0x8: {  	[smem:$0x3F91] =	sst s0  }
0x9: {  	[smem:$0x3F92] =	sst s1  }
0xa: {  	[smem:$0x3F93] =	sst s2  }
0xb: {  	[smem:$0x3F94] =	sst s3  }
0xc: {  	[smem:$0x3F95] =	sst s4  }
0xd: {  	[smem:$0x3F96] =	sst s5  }
0xe: {  	[smem:$0x3F97] =	sst s6  }
0xf: {  	[smem:$0x3F98] =	sst s7  }
0x10: {  	[smem:$0x3F99] =	sst s8  }
0x11: {  	[smem:$0x3F9A] =	sst s9;
	s0 =	simm.s32 @!p0 $0x0  }
0x12: {  	s1 =	sld [smem:$0x3F80];
	s0 =	simm.s32 @p0 $0x1  }
0x13: {  	[smem:$0x3F9B] =	sst s0;
	s0 =	simm.s32 @!p1 $0x0  }
0x14: {  	s2 =	sld [smem:$0x3F7F];
	s0 =	simm.s32 @p1 $0x1  }
0x15: {  	[smem:$0x3F9C] =	sst s0;
	s0 =	simm.s32 @!p2 $0x0  }
0x16: {  	s3 =	sld [smem:$0x3FDB];
	s0 =	simm.s32 @p2 $0x1  }
0x17: {  	s4 =	simm.s32 $0x1BF5;
	[smem:$0x3F9E] =	sst s0  }
0x18: {  	s0 =	sld [smem:$0x3F81];
	_ =	swait.ge [sflag:s4], $0x0  }
0x19: {  	s7 =	sld [smem:$0x3F82]  }
0x1a: {  	s8 =	sadd.s32 $0xFFFFE003, lr  }
0x1b: {  	s9 =	sadd.s32 $0xFFFFFEF7, lr;
	s5 =	simm.s32 $0xFFFFFFFF;
	p2 =	slt.u32 s8, $0xFFFFF086  }
0x1c: {  	p1 =	slt.u32 s9, $0xF7A;
	s5 =	simm.s32 @!p2 $0x0  }
0x1d: {  	s5 =	simm.s32 @p1 $0x1;
	p0 =	seq.s32 s7, s2  }
0x1e: {  	s7 =	smul.u32 @!p0 $0xF7A, s2;
	p2 =	seq.s32 @!p0 s5, $0x0  }
0x1f: {  	s9 =	smul.u32 $0xF7A, s1;
	s8 =	simm.s32 @!p0 $0x1BF5;
	p2 =	por !p2, p0  }
0x20: {  	[sflag:s8] =	ssyncset.s32 @!p0 $0xFFFFF086;
	s6 =	sadd.s32 @!p0 s3, s7;
	s7 =	simm.s32 @!p0 $0x108  }
0x21: {  	s3 =	sadd.s32 s3, s9;
	s6 =	sadd.s32 @!p0 $0x88, s6;
	s7 =	simm.s32 @p2 $0x1082  }
0x22: {  	[simem:s7], [sflag:s8] =	dma.local @!p0 [hbm:s6], $0xF7A  }
0x23: {  	s9 =	sor.u32 $0xD0000000, s2;
	s6 =	simm.s32 $0x108;
	_ =	swait.ge @!p0 [sflag:s8], $0x0  }
0x24: {  	s3 =	sadd.s32 $0x88, s3;
	s6 =	simm.s32 @!p1 $0x1082;
	[sflag:s4] =	ssyncset.s32 $0xFFFFF086  }
0x25: {  	[simem:s6], [sflag:s4] =	dma.local [hbm:s3], $0xF7A  }
0x26: {  	[smem:$0x3F82] =	sst s1;
	(tag) =	ssettag s2;
	_ =	strace s9  }
0x27: {  	s1 =	sld [smem:$0x3F92]  }
0x28: {  	s2 =	sld [smem:$0x3F93]  }
0x29: {  	s4 =	sld [smem:$0x3F95]  }
0x2a: {  	p0 =	seq.s32 s5, $0x0;
	s5 =	sld [smem:$0x3F96]  }
0x2b: {  	s6 =	sld [smem:$0x3F97]  }
0x2c: {  	s7 =	sld [smem:$0x3F98]  }
0x2d: {  	s3 =	simm.s32 $0x108;
	s8 =	sld [smem:$0x3F99]  }
0x2e: {  	s3 =	simm.s32 @!p0 $0x1082;
	s9 =	sld [smem:$0x3F9A]  }
0x2f: {  	lr =	sadd.s32 s0, s3;
	s0 =	sld [smem:$0x3F91]  }
0x30: {  	s3 =	sld [smem:$0x3F94]  }
0x31: {  	[smem:$0x3F9D] =	sst s10  }
0x32: {  	s10 =	sld [smem:$0x3F9B];
	_ =	sdelay $0x3  }
0x33: {  	p0 =	seq.s32 s10, $0x1;
	s10 =	sld [smem:$0x3F9D];
	_ =	sdelay $0x3  }
0x34: {  	[smem:$0x3F9D] =	sst s10  }
0x35: {  	s10 =	sld [smem:$0x3F9C];
	_ =	sdelay $0x3  }
0x36: {  	p1 =	seq.s32 s10, $0x1;
	s10 =	sld [smem:$0x3F9D];
	_ =	sdelay $0x3  }
0x37: {  	[smem:$0x3F9D] =	sst s10  }
0x38: {  	s10 =	sld [smem:$0x3F9E]  }
0x39: {  	_ = 	snop;
	(pc) =	sbr.ind lr, $3  }
0x3a: {  	_ = 	snop  }
0x3b: {  	_ = 	snop  }
0x3c: {  	p2 =	seq.s32 s10, $0x1;
	s10 =	sld [smem:$0x3F9D]  }
0x3d: {  	_ =	shalt  }
0x3e: {  	_ =	shalt  }
0x3f: {  	_ =	shalt  }
0x40: {  	_ =	shalt  }
0x41: {  	_ =	shalt  }
0x42: {  	_ =	shalt  }
0x43: {  	_ =	shalt  }
0x44: {  	_ =	shalt  }
0x45: {  	_ =	shalt  }
0x46: {  	_ =	shalt  }
0x47: {  	_ =	shalt  }
0x48: {  	_ =	shalt  }
0x49: {  	_ =	shalt  }
0x4a: {  	_ =	shalt  }
0x4b: {  	_ =	shalt  }
0x4c: {  	_ =	shalt  }
0x4d: {  	_ =	shalt  }
0x4e: {  	_ =	shalt  }
0x4f: {  	_ =	shalt  }
0x50: {  	_ =	shalt  }
0x51: {  	_ =	shalt  }
0x52: {  	_ =	shalt  }
0x53: {  	_ =	shalt  }
0x54: {  	_ =	shalt  }
0x55: {  	_ =	shalt  }
0x56: {  	_ =	shalt  }
0x57: {  	_ =	shalt  }
0x58: {  	_ =	shalt  }
0x59: {  	_ =	shalt  }
0x5a: {  	_ =	shalt  }
0x5b: {  	_ =	shalt  }
0x5c: {  	_ =	shalt  }
0x5d: {  	_ =	shalt  }
0x5e: {  	_ =	shalt  }
0x5f: {  	_ =	shalt  }
0x60: {  	_ =	shalt  }
0x61: {  	_ =	shalt  }
0x62: {  	_ =	shalt  }
0x63: {  	_ =	shalt  }
0x64: {  	_ =	shalt  }
0x65: {  	_ =	shalt  }
0x66: {  	_ =	shalt  }
0x67: {  	_ =	shalt  }
0x68: {  	_ =	shalt  }
0x69: {  	_ =	shalt  }
0x6a: {  	_ =	shalt  }
0x6b: {  	_ =	shalt  }
0x6c: {  	_ =	shalt  }
0x6d: {  	_ =	shalt  }
0x6e: {  	_ =	shalt  }
0x6f: {  	_ =	shalt  }
0x70: {  	_ =	shalt  }
0x71: {  	_ =	shalt  }
0x72: {  	_ =	shalt  }
0x73: {  	_ =	shalt  }
0x74: {  	_ =	shalt  }
0x75: {  	_ =	shalt  }
0x76: {  	_ =	shalt  }
0x77: {  	_ =	shalt  }
0x78: {  	_ =	shalt  }
0x79: {  	_ =	shalt  }
0x7a: {  	_ =	shalt  }
0x7b: {  	_ =	shalt  }
0x7c: {  	_ =	shalt  }
0x7d: {  	_ =	shalt  }
0x7e: {  	_ =	shalt  }
0x7f: {  	_ =	shalt  }
0x80: {  	_ =	shalt  }
0x81: {  	_ =	shalt  }
0x82: {  	_ =	shalt  }
0x83: {  	_ =	shalt  }
0x84: {  	_ =	shalt  }
0x85: {  	_ =	shalt  }
0x86: {  	_ =	shalt  }
0x87: {  	_ =	shalt  }
.Lfunc_end0:
.L_simem_size_0:
called_computation.1_lowered:
.L_overlay_start_0:
0x88: {  	s2 =	sld [smem:$0x3FD9]  }
0x89: {  	s3 =	sld [smem:$0x3FFE];
	_ =	sdelay $0x1  }
0x8a: {  	s1 =	srdreg.scid  }
0x8b: {  	s0 =	sand.u32 $0x1, s1  }
0x8c: {  	s16 =	sshll.u32 s0, $0xA;
	s2 =	sadd.s32 s3, s2  }
0x8d: {  	s2 =	sadd.s32 s2, s16  }
0x8e: {  	[smem:$0x3FA9] =	sst s2  }
0x8f: {  	_ = 	snop  }
0x90: {  	(tm) =	ssettm $0x1  }
0x91: {  	s17 =	sld [smem:$0x3FFB];
	_ =	sdelay $0x3  }
0x92: {  	_ =	strace s17  }
0x93: {  	s2 =	sld [smem:$0x3FFC];
	_ =	sdelay $0x3  }
0x94: {  	_ =	strace s2  }
0x95: {  	s2 =	sld [smem:$0x3FFD];
	_ =	sdelay $0x3  }
0x96: {  	_ =	strace s2  }
0x97: {  	_ =	strace $0x8FFFFFFF  }
0x98: {  	s18 =	sld [smem:$0x3FDB];
	_ =	sdelay $0x1  }
0x99: {  	s19 =	simm.s32 $_scs_section_size  }
0x9a: {  	s4 =	simm.s32 $_size__tile_overlayer_lowered;
	s5 =	simm.s32 $_tile_overlayer_lowered  }
0x9b: {  	s22 =	simm.s32 $0x1BFF;
	s21 =	sshll.u32 s5, $0x1;
	s2 =	sadd.s32 s19, s18  }
0x9c: {  	s6 =	simm.s32 $0x0;
	s20 =	sshll.u32 s4, $0x1;
	s4 =	sadd.s32 s21, s2  }
0x9d: {  	[timem:s6], [sflag:s22] =	dma.local [hbm:s4], s20  }
0x9e: {  	_ =	swait.ge [sflag:s22], s20  }
0x9f: {  	s3 =	ssub.s32 $0x0, s20;
	[sflag:s22] =	ssyncset.done $0x0  }
0xa0: {  	[sflag:s22] =	ssyncadd.s32 s3;
	_ =	sdelay $0x1  }
0xa1: {  	s23 =	simm.s32 $0x1B8B  }
0xa2: {  	_ =	swait.ge [sflag:s23], $0x1  }
0xa3: {  	[sflag:s23] =	ssyncset.done $0x0  }
0xa4: {  	s25 =	simm.s32 $0x1B8E;
	s24 =	sld [smem:$0x3FFE];
	[sflag:s23] =	ssyncadd.s32 $0xFFFFFFFF  }
0xa5: {  	s26 =	simm.s32 $execute0_lowered;
	[smem:$0x3FD2] =	sst s25  }
0xa6: {  	s4 =	sshll.u32 s26, $0x1;
	_ =	strace $0x80000050;
	[dreg:$0x1] =	wrdreg $0xFFFFFFFF  }
0xa7: {  	s28 =	simm.s32 $_size_execute0_lowered;
	s2 =	sadd.s32 s2, s4;
	[dreg:$0x0] =	wrdreg $0x0  }
0xa8: {  	s4 =	sshll.u32 s28, $0x1;
	[dreg:$0x2] =	wrdreg s2  }
0xa9: {  	[dreg:$0x3] =	wrdreg s4  }
0xaa: {  	[dreg:$0x4] =	wrdreg $0xC0  }
0xab: {  	_ =	task [dreg:s6], $0x5FFFF  }
0xac: {  	[dreg:$0x1] =	wrdreg $0xFFFFFFFF  }
0xad: {  	[dreg:$0x0] =	wrdreg $0x60  }
0xae: {  	[dreg:$0x2] =	wrdreg s24  }
0xaf: {  	[dreg:$0x3] =	wrdreg $0x9  }
0xb0: {  	_ =	task.clear_ibuf [dreg:s6], $0x4FFFF;
	_ =	strace $0x90000050  }
0xb1: {  	s29 =	simm.s32 $0x9;
	_ =	strace $0x80000059  }
0xb2: {  	_ =	swait.ge [sflag:s29], $0x1  }
0xb3: {  	[sflag:s29] =	ssyncadd.s32 $0xFFFFFFFF  }
0xb4: {  	_ =	strace $0x90000059  }
0xb5: {  	_ =	sfence  }
0xb6: {  	s30 =	sld [smem:$0x0];
	_ =	sdelay $0x2  }
0xb7: {  	s31 =	sshll.u32 s1, $0xD;
	s1 =	sshrl.u32 s1, $0x2  }
0xb8: {  	s3 =	sand.u32 $0x4000, s31;
	s1 =	sadd.s32 s1, s30  }
0xb9: {  	s0 =	sor.u32 s3, s0;
	s1 =	sshll.u32 s1, $0x11  }
0xba: {  	s0 =	sor.u32 s1, s0  }
0xbb: {  	s0 =	sadd.s32 $0x8F2B, s0  }
0xbc: {  	[sflag:s0] =	ssyncadd.remote.s32 $0x1  }
0xbd: {  	_ =	sfence.sel $0xFFFF  }
0xbe: {  	[dreg:$0x0] =	wrdreg $0xFFFFFFFF;
	(pc) =	sbr.abs _section_cstart, $3  }
0xbf: {  	[dreg:$0x1] =	wrdreg $0xFFFFFFFF  }
0xc0: {  	_ =	task.clear_ibuf [dreg:s6], $0x2FFFF;
	_ =	strace $0x9FFFFFFF  }
0xc1: {  	(tm) =	ssettm $0x7FFFFFFF  }
tec
execute0_lowered:
.L_overlay_start_1:
0x0: {  	(tag) =	ssettag $0x1  }
0x1: {  	s3 =	rddreg [dreg:$0x0]  }
0x2: {  	s0 =	rddreg [dreg:$0x1];
	s1 =	simm.s32 $0x0;
	s2 =	srdreg.scid  }
0x3: {  	s31 =	simm.s32 $0x80;
	s9 =	simm.s32 $0x4;
	s10 =	simm.s32 $0x0  }
0x4: {  	[smem:$0x7FF] =	sst s1;
	s4 =	sand.u32 $0x1, s2;
	s5 =	sadd.s32 $0x5200, s3  }
0x5: {  	s2 =	stileid.u32;
	s29 =	sadd.s32 $0x1F600, s3;
	s3 =	sadd.s32 $0x1DA00, s3  }
0x6: {  	_ =	strace $0x80000051;
	s6 =	sshll.u32 s4, $0x4;
	[dreg:$0x2] =	wrdreg s5  }
0x7: {  	s4 =	ssub.s32 $0x2, s4;
	[dreg:$0x4] =	wrdreg s29;
	s28 =	sor.u32 s2, s6  }
0x8: {  	[dreg:$0x3] =	wrdreg s31;
	s7 =	sshrl.u32 s4, $0x1;
	s8 =	smul.u32 $0xE0, s28  }
0x9: {  	s30 =	ssub.s32 s4, s7;
	s4 =	smul.u32 $0xE, s28;
	s7 =	simm.s32 $0x1  }
0xa: {  	s6 =	smax.u32 s30, $0x1;
	s5 =	sadd.s32 s3, s8;
	s8 =	simm.s32 $0x5  }
.LBB2_1:
0xb: {  	_ =	strace $0x80000052;
	s11 =	simm.s32 $0x1;
	p0 =	por $0x0, $0x0  }
0xc: {  	[tilespmem:s1], [sflag:$0x1] =	stream.linear.gather [hbm4b:s5+s1], $0x80, $0x200038;
	[tilespmem:$0x8100] =	vst v63  }
0xd: {  	s11 =	simm.s32 @p0 $0x0  }
0xe: {  	p4 =	por $0x1, $0x1;
	s20 =	sand.u32 $0x1, s1;
	p1 =	sne.s32 s11, $0x0  }
0xf: {  	p2 =	por $0x1, $0x1;
	s18 =	simm.s32 $0xC;
	p0 =	por !p4, !p1  }
0x10: {  	s16 =	simm.s32 $0x0;
	p5 =	por $0x0, $0x0;
	p0 =	por !p0, !p0  }
0x11: {  	s23 =	sadd.s32 $0x0, s4;
	s30 =	sadd.s32 $0x1, s20;
	s12 =	sadd.s32 @p0 s4, s11  }
0x12: {  	_ =	strace $0x90000052;
	s13 =	sand.u32 @p0 $0x1, s7;
	s12 =	sshll.u32 @p0 s12, $0x4  }
0x13: {  	_ =	strace @p0 $0x80000053;
	s15 =	simm.s32 @p0 $0x0;
	s12 =	sand.u32 @p0 $0x1FFFFFF0, s12  }
0x14: {  	s14 =	sshll.u32 @p0 s13, $0x7;
	s13 =	sadd.s32 @p0 $0x1, s13;
	s12 =	sadd.s32 @p0 s3, s12  }
0x15: {  	[tilespmem:s14], [sflag:s13] =	stream.linear.gather @p0 [hbm4b:s12+s15], $0x80, $0x200038;
	[tilespmem:$0x8100] =	vst v63  }
0x16: {  	p3 =	por p2, p2;
	s21 =	sshll.u32 s20, $0xE;
	_ =	strace @p0 $0x90000053  }
0x17: {  	s16 =	sand.u32 $0x80, s16;
	p2 =	por p5, p5;
	_ =	strace $0x80000054  }
0x18: {  	s17 =	sadd.s32 $0x1, s11;
	s22 =	sor.u32 $0x100, s21;
	_ =	swait.ge [sflag:s30], $0x80  }
0x19: {  	s21 =	simm.s32 $0x1;
	p6 =	por p1, p1;
	[sflag:s30] =	ssyncset.done $0x0  }
0x1a: {  	p1 =	por p3, p3;
	p4 =	por $0x1, $0x1;
	[sflag:s30] =	ssyncadd.s32 $0xFFFFFF80  }
0x1b: {  	s12 =	simm.s32 $0xD;
	s15 =	sand.u32 @!p3 $0x1, s1;
	_ =	strace $0x90000054  }
0x1c: {  	s13 =	simm.s32 $0x1;
	p3 =	seq.s32 s17, $0xE;
	_ =	strace $0x80000055  }
0x1d: {  	s13 =	simm.s32 @!p0 $0x0;
	s17 =	simm.s32 @p3 $0x0;
	s19 =	rddreg [dreg:$0x3]  }
0x1e: {  	p0 =	por $0x0, $0x0;
	s14 =	sadd.s32 $0x1, s13;
	s31 =	rddreg [dreg:$0x2]  }
0x1f: {  	[tilespmem:s22], [sflag:$0x5] =	stream.indirect.gather [hbm4b:s31+s19], $0x80, s16, s19, $0x2000b8;
	[tilespmem:$0x8100] =	vst v63  }
0x20: {  	p3 =	sne.s32 s11, s17;
	s21 =	simm.s32 @!p0 $0x0;
	_ =	swait.ge [sflag:s8], $0x4000  }
0x21: {  	p5 =	por !p4, !p3;
	p4 =	por $0x0, $0x0;
	[sflag:s8] =	ssyncset.done $0x0  }
0x22: {  	s13 =	simm.s32 $0x0;
	p6 =	por p4, p6;
	[sflag:s8] =	ssyncadd.s32 $0xFFFFC000  }
0x23: {  	s16 =	simm.s32 $0x0;
	s19 =	simm.s32 $0x0;
	_ =	strace $0x90000055  }
.LBB2_2:
0x24: {  	_ =	strace @p6 $0x80000056;
	s13 =	sadd.s32 s21, s13;
	s21 =	smov.u32 s12  }
0x25: {  	s12 =	smov.u32 s18;
	s18 =	sadd.s32 $0xFFFFFFFF, s18;
	p0 =	por p3, p3  }
0x26: {  	s28 =	sshll.u32 @p6 s23, $0xB;
	s20 =	sadd.s32 @p6 $0x3, s20;
	s24 =	simm.s32 @!p0 $0x0  }
0x27: {  	s25 =	rddreg [dreg:$0x4];
	s28 =	sand.u32 @p6 $0x1FFFF800, s28;
	s24 =	simm.s32 @p0 $0x1  }
0x28: {  	s25 =	sadd.s32 @p6 s25, s28;
	s28 =	simm.s32 @p6 $0x0;
	p0 =	sne.s32 s18, $0x0  }
0x29: {  	[hbm4b:s25+s28] =	stream.linear.scatter @p6 [tilespmem:s22], [sflag:s20], $0x4000, $0x200038;
	[tilespmem:$0x8100] =	vst v63  }
0x2a: {  	s20 =	sadd.s32 @!p1 $0x3, s15;
	s15 =	simm.s32 @!p0 $0x0  }
0x2b: {  	s26 =	simm.s32 $0x1;
	[smem:$0x7FC] =	sst s24;
	s15 =	simm.s32 @p0 $0x1  }
0x2c: {  	s26 =	simm.s32 @!p6 $0x0;
	_ =	strace @p6 $0x90000056;
	[smem:$0x7FD] =	sst s15  }
0x2d: {  	p5 =	por !p5, !p5;
	s19 =	sadd.s32 s26, s19;
	_ =	strace @!p1 $0x80000057  }
0x2e: {  	s24 =	sand.u32 @!p2 $0x1, s13;
	s22 =	sand.u32 @p5 $0x1, s14;
	_ =	swait.ge @!p1 [sflag:s20], $0x4000  }
0x2f: {  	s15 =	smov.u32 s24;
	s24 =	sadd.s32 @p5 s4, s17;
	[sflag:s20] =	ssyncset.done @!p1 $0x0  }
0x30: {  	s25 =	sshll.u32 @p5 s22, $0x7;
	s24 =	sshll.u32 @p5 s24, $0x4;
	[sflag:s20] =	ssyncadd.s32 @!p1 $0xFFFFC000  }
0x31: {  	s20 =	sadd.s32 @p5 $0x1, s22;
	s22 =	sand.u32 @p5 $0x1FFFFFF0, s24;
	_ =	strace @!p1 $0x90000057  }
0x32: {  	s24 =	simm.s32 @p5 $0x0;
	s22 =	sadd.s32 @p5 s3, s22;
	_ =	strace @p5 $0x80000053  }
0x33: {  	[tilespmem:s25], [sflag:s20] =	stream.linear.gather @p5 [hbm4b:s22+s24], $0x80, $0x200038;
	[tilespmem:$0x8100] =	vst v63  }
0x34: {  	s16 =	sadd.s32 s26, s16;
	s26 =	sand.u32 $0x1, s19;
	_ =	strace @p5 $0x90000053  }
0x35: {  	s24 =	sadd.s32 $0x1, s26;
	_ =	strace $0x80000054  }
0x36: {  	_ =	swait.ge [sflag:s24], $0x80  }
0x37: {  	[sflag:s24] =	ssyncset.done $0x0  }
0x38: {  	s20 =	simm.s32 $0x1;
	[sflag:s24] =	ssyncadd.s32 $0xFFFFFF80  }
0x39: {  	s20 =	simm.s32 @!p5 $0x0;
	_ =	strace $0x90000054  }
0x3a: {  	s14 =	sadd.s32 s20, s14;
	s20 =	sand.u32 $0x1, s16;
	_ =	strace $0x80000055  }
0x3b: {  	s29 =	sshll.u32 s19, $0x7;
	s25 =	sshll.u32 s20, $0xE;
	s26 =	rddreg [dreg:$0x3]  }
0x3c: {  	s29 =	sand.u32 $0x80, s29;
	s22 =	sor.u32 $0x100, s25;
	s30 =	rddreg [dreg:$0x2]  }
0x3d: {  	[tilespmem:s22], [sflag:$0x5] =	stream.indirect.gather [hbm4b:s30+s26], $0x80, s29, s26, $0x2000b8;
	[tilespmem:$0x8100] =	vst v63  }
0x3e: {  	_ =	swait.ge [sflag:s8], $0x4000  }
0x3f: {  	s31 =	sadd.s32 $0x1, s17;
	[sflag:s8] =	ssyncset.done $0x0  }
0x40: {  	s23 =	sadd.s32 s4, s11;
	s11 =	smov.u32 s17;
	[sflag:s8] =	ssyncadd.s32 $0xFFFFC000  }
0x41: {  	p3 =	seq.s32 s31, $0xE;
	s17 =	smov.u32 s31;
	_ =	strace $0x90000055  }
0x42: {  	s17 =	simm.s32 @p3 $0x0;
	s31 =	sld [smem:$0x7FD]  }
0x43: {  	p6 =	sne.s32 s12, $0x1;
	p0 =	sne.s32 s21, $0xE;
	p3 =	sne.s32 s11, s17  }
0x44: {  	p5 =	por !p6, !p3;
	p6 =	seq.s32 s21, $0x1;
	s21 =	simm.s32 $0x1  }
0x45: {  	s21 =	simm.s32 @!p0 $0x0;
	p0 =	seq.s32 s31, $0x1  }
.Ltmp0:
0x46: {  	s30 =	sld [smem:$0x7FC];
	(pc) =	sbr.rel @p0 .LBB2_2-.Ltmp0, $4  }
0x47: {  	_ = 	snop  }
0x48: {  	p4 =	seq.s32 s12, $0xE  }
0x49: {  	p1 =	por p2, p2;
	p2 =	por p4, p4;
	p4 =	seq.s32 s30, $0x1  }
0x4a: {  	p6 =	por p6, p4  }
0x4b: {  	_ =	strace @p6 $0x80000056;
	s23 =	sshll.u32 @p6 s23, $0xB  }
0x4c: {  	s18 =	rddreg [dreg:$0x4];
	s23 =	sand.u32 @p6 $0x1FFFF800, s23  }
0x4d: {  	s20 =	sadd.s32 @p6 $0x3, s20;
	s18 =	sadd.s32 @p6 s18, s23;
	s23 =	simm.s32 @p6 $0x0  }
0x4e: {  	[hbm4b:s18+s23] =	stream.linear.scatter @p6 [tilespmem:s22], [sflag:s20], $0x4000, $0x200038;
	[tilespmem:$0x8100] =	vst v63  }
0x4f: {  	p0 =	por !p5, !p5;
	_ =	strace @p6 $0x90000056  }
0x50: {  	s15 =	sadd.s32 @!p1 $0x3, s15;
	s17 =	sadd.s32 @p0 s4, s17;
	_ =	strace @!p1 $0x80000057  }
0x51: {  	s14 =	sand.u32 @p0 $0x1, s14;
	s17 =	sshll.u32 @p0 s17, $0x4;
	_ =	swait.ge @!p1 [sflag:s15], $0x4000  }
0x52: {  	s18 =	simm.s32 $0x1;
	s20 =	sshll.u32 @p0 s14, $0x7;
	[sflag:s15] =	ssyncset.done @!p1 $0x0  }
0x53: {  	s14 =	sadd.s32 @p0 $0x1, s14;
	s18 =	simm.s32 @!p6 $0x0;
	[sflag:s15] =	ssyncadd.s32 @!p1 $0xFFFFC000  }
0x54: {  	s19 =	sadd.s32 s18, s19;
	s15 =	sand.u32 @p0 $0x1FFFFFF0, s17;
	_ =	strace @!p1 $0x90000057  }
0x55: {  	s17 =	simm.s32 @p0 $0x0;
	s15 =	sadd.s32 @p0 s3, s15;
	_ =	strace @p0 $0x80000053  }
0x56: {  	[tilespmem:s20], [sflag:s14] =	stream.linear.gather @p0 [hbm4b:s15+s17], $0x80, $0x200038;
	[tilespmem:$0x8100] =	vst v63  }
0x57: {  	s25 =	sand.u32 $0x1, s19;
	_ =	strace @p0 $0x90000053  }
0x58: {  	s14 =	sadd.s32 $0x1, s25;
	_ =	strace $0x80000054  }
0x59: {  	_ =	swait.ge [sflag:s14], $0x80  }
0x5a: {  	[sflag:s14] =	ssyncset.done $0x0  }
0x5b: {  	[sflag:s14] =	ssyncadd.s32 $0xFFFFFF80  }
0x5c: {  	s26 =	sadd.s32 s18, s16;
	_ =	strace $0x90000054  }
0x5d: {  	s14 =	sand.u32 $0x1, s26;
	_ =	strace $0x80000055  }
0x5e: {  	s30 =	sshll.u32 s19, $0x7;
	s31 =	sshll.u32 s14, $0xE;
	s28 =	rddreg [dreg:$0x3]  }
0x5f: {  	s17 =	sand.u32 $0x80, s30;
	s18 =	sor.u32 $0x100, s31;
	s29 =	rddreg [dreg:$0x2]  }
0x60: {  	[tilespmem:s18], [sflag:$0x5] =	stream.indirect.gather [hbm4b:s29+s28], $0x80, s17, s28, $0x2000b8;
	[tilespmem:$0x8100] =	vst v63  }
0x61: {  	_ =	swait.ge [sflag:s8], $0x4000  }
0x62: {  	[sflag:s8] =	ssyncset.done $0x0  }
0x63: {  	p5 =	por p3, p3;
	p6 =	seq.s32 s12, $0x1;
	[sflag:s8] =	ssyncadd.s32 $0xFFFFC000  }
0x64: {  	s11 =	sadd.s32 s4, s11;
	p0 =	por p6, p5;
	_ =	strace $0x90000055  }
0x65: {  	s11 =	sshll.u32 @p0 s11, $0xB;
	_ =	strace @p0 $0x80000056  }
0x66: {  	s13 =	sadd.s32 s21, s13;
	s11 =	sand.u32 @p0 $0x1FFFF800, s11;
	s12 =	rddreg [dreg:$0x4]  }
0x67: {  	s14 =	sadd.s32 @p0 $0x3, s14;
	s11 =	sadd.s32 @p0 s12, s11;
	s12 =	simm.s32 @p0 $0x0  }
0x68: {  	[hbm4b:s11+s12] =	stream.linear.scatter @p0 [tilespmem:s18], [sflag:s14], $0x4000, $0x200038;
	[tilespmem:$0x8100] =	vst v63  }
0x69: {  	p1 =	por p2, p2;
	s11 =	sand.u32 @!p2 $0x1, s13;
	_ =	strace @p0 $0x90000056  }
0x6a: {  	s11 =	sadd.s32 @!p1 $0x3, s11;
	_ =	strace @!p1 $0x80000057  }
0x6b: {  	_ =	swait.ge @!p1 [sflag:s11], $0x4000  }
0x6c: {  	[sflag:s11] =	ssyncset.done @!p1 $0x0  }
0x6d: {  	s10 =	sadd.s32 $0x1, s10;
	[sflag:s11] =	ssyncadd.s32 @!p1 $0xFFFFC000  }
0x6e: {  	p0 =	sne.s32 s10, s6;
	_ =	strace @!p1 $0x90000057  }
.Ltmp1:
0x6f: {  	_ =	strace $0x80000058;
	(pc) =	sbr.rel @p0 .LBB2_1-.Ltmp1, $4  }
0x70: {  	_ =	swait.ge [sflag:s9], $0x4000  }
0x71: {  	[sflag:s9] =	ssyncset.done $0x0  }
0x72: {  	[sflag:s9] =	ssyncadd.s32 $0xFFFFC000  }
0x73: {  	_ =	strace $0x90000058  }
0x74: {  	_ =	sfence.sel $0x180000  }
0x75: {  	[bflag:$0x0] =	sbarrier.arrive $0xFFFF  }
0x76: {  	p0 =	sne.s32 s2, $0x0;
	_ =	strace $0x90000051  }
0x77: {  	s0 =	sadd.s32 @!p0 $0x100000, s0;
	[bflag:$0x2] =	sbarrier.arrive $0xFFFF  }
0x78: {  	[sflag:s0] =	ssyncadd.tile.s32 @!p0 $0x1;
	_ =	shalt  }
.Lfunc_end2:
_tile_overlayer_lowered:
.L_overlay_start_2:
0x79: {  	(tag) =	ssettag $0x2  }
0x7a: {  	s0 =	rddreg [dreg:$0x0];
	s2 =	stileid.u32  }
0x7b: {  	s1 =	rddreg [dreg:$0x1];
	p0 =	sne.s32 s2, $0x0  }
0x7c: {  	s3 =	rddreg [dreg:$0x2];
	[bflag:$0x3] =	sbarrier.arrive $0xFFFF;
	s2 =	simm.s32 @!p0 $0x1C01  }
0x7d: {  	[timem:s3], [sflag:s2] =	dma.local @!p0 [hbm:s0], s1  }
0x7e: {  	s0 =	simm.s32 @!p0 $0x1  }
0x7f: {  	_ =	swait.ge @!p0 [sflag:s0], s1  }
0x80: {  	s1 =	ssub.s32 @!p0 $0x0, s1;
	[sflag:s0] =	ssyncset.done @!p0 $0x0  }
0x81: {  	[sflag:s0] =	ssyncadd.s32 @!p0 s1  }
0x82: {  	[bflag:$0x3] =	sbarrier.arrive $0xFFFF  }
0x83: {  	_ =	shalt  }

</sc_bundles>
